<compile_context>
chip_gen: v7x
topology: tpu7x:2x2x1
jax: 0.10.2.dev20260603
libtpu: 0.0.44.dev20260713+nightly
codegen_flags: <defaults>
</compile_context>

<pallas_src>
import functools

import jax
import jax.numpy as jnp
from jax import lax
from jax.experimental import pallas as pl
from jax.experimental.pallas import tpu as pltpu
from jax.experimental.pallas import tpu_sc as plsc

H, W = 360, 480
NPIX = H * W
N = 100000
NP = 102400
ROWS = NP // 128
TROWS = ROWS // 16
CB = 10
CPTS = CB * 128
NCHUNK = TROWS // CB
PIX_W = NPIX // 32
PIX_C = NPIX // 16


def _pre_body(c0, c1, c2, op, dp, mx, my, o0, o1, o2, o3, o4, idx_ref):
    w = 1.0 / (1.0 + jnp.exp(-op[...]))
    x = dp[...]
    d = jnp.maximum(x, 0.0) + jnp.log(1.0 + jnp.exp(-jnp.abs(x)))
    rid = lax.broadcasted_iota(jnp.int32, (ROWS, 128), 0)
    cid = lax.broadcasted_iota(jnp.int32, (ROWS, 128), 1)
    valid = (rid * 128 + cid) < N
    w = jnp.where(valid, w, 0.0)
    px = jnp.clip(jnp.floor(mx[...] * W), 0.0, W - 1)
    py = jnp.clip(jnp.floor(my[...] * H), 0.0, H - 1)
    flat = (py * W + px).astype(jnp.int32)
    idx_ref[...] = jnp.where(valid, flat, rid * 128 + cid)
    o0[...] = c0[...] * w
    o1[...] = c1[...] * w
    o2[...] = c2[...] * w
    o3[...] = d * w
    o4[...] = w


_pre = pl.pallas_call(
    _pre_body,
    out_shape=(
        [jax.ShapeDtypeStruct((ROWS, 128), jnp.float32) for _ in range(5)]
        + [jax.ShapeDtypeStruct((ROWS, 128), jnp.int32)]
    ),
)


@functools.cache
def _make_sc():
  return pl.kernel(
    _sc_body,
    mesh=plsc.VectorSubcoreMesh(core_axis_name="c", subcore_axis_name="s",
                                num_cores=2, num_subcores=16),
    out_type=[jax.ShapeDtypeStruct((NPIX,), jnp.float32) for _ in range(5)],
    scratch_types=[
        [pltpu.VMEM((CPTS,), jnp.int32) for _ in range(2)],
        [pltpu.VMEM((CPTS,), jnp.float32) for _ in range(5)],
        [pltpu.VMEM((CPTS,), jnp.float32) for _ in range(5)],
        pltpu.VMEM((PIX_W + 8,), jnp.float32),
        [pltpu.VMEM_SHARED((NPIX,), jnp.float32) for _ in range(5)],
        pltpu.SemaphoreType.DMA,
        pltpu.SemaphoreType.DMA,
    ],
    compiler_params=pltpu.CompilerParams(needs_layout_passes=False),
  )


def _sc_body(v0h, v1h, v2h, v3h, v4h, idx_hbm, o0, o1, o2, o3, o4,
             idxv, vbufA, vbufB, cbuf, accs, sem_s, sem_l):
    cc = lax.axis_index("c")
    ss = lax.axis_index("s")
    vhbm = (v0h, v1h, v2h, v3h, v4h)
    outs = (o0, o1, o2, o3, o4)
    vbufs = (vbufA, vbufB)
    scope = jax.named_scope

    base_pt = ss * TROWS * 128

    def _for_core(fn3, fn2):
        @pl.when(cc == 0)
        def _():
            fn3()
        @pl.when(cc != 0)
        def _():
            fn2()

    def _load(c, buf, sem, chans):
        cps = [pltpu.async_copy(
            vhbm[ch].at[pl.ds(base_pt + c * CPTS, CPTS)], buf[ch], sem)
            for ch in chans]
        cps.append(pltpu.async_copy(
            idx_hbm.at[pl.ds(base_pt + c * CPTS, CPTS)], idxv[c % 2], sem))
        return cps

    pf3 = lambda: [None for _ in _load(0, vbufs[0], sem_s, (0, 1, 2))]
    pf2 = lambda: [None for _ in _load(0, vbufs[0], sem_s, (3, 4))]
    _for_core(pf3, pf2)

    with scope("zero_phase"):
        def _zb(i, carry):
            cbuf[pl.ds(i * 16, 16)] = jnp.zeros((16,), jnp.float32)
            return carry
        lax.fori_loop(0, (PIX_W + 15) // 16, _zb, 0)
        zcopies = []
        for a in accs:
            for k in range(PIX_C // PIX_W):
                zcopies.append(pltpu.async_copy(
                    cbuf.at[pl.ds(0, PIX_W)],
                    a.at[pl.ds(ss * PIX_C + k * PIX_W, PIX_W)], sem_l))
        for cp in zcopies:
            cp.wait()
        plsc.subcore_barrier()

    with scope("scatter_phase"):
        def _drain_pf(nch):
            for _ in range(nch + 1):
                pltpu.make_async_copy(
                    vhbm[0].at[pl.ds(base_pt, CPTS)], vbufs[0][0],
                    sem_s).wait()
        _for_core(lambda: _drain_pf(3), lambda: _drain_pf(2))
        for c in range(NCHUNK):
            cur = vbufs[c % 2]

            def _scat(chs, cur=cur):
                streams = [pltpu.async_copy(cur[ch],
                                            accs[ch].at[idxv[c % 2]],
                                            sem_s, add=True) for ch in chs]
                if c + 1 < NCHUNK:
                    loads = _load(c + 1, vbufs[(c + 1) % 2], sem_l, chs)
                    for cp in loads:
                        cp.wait()
                for cp in streams:
                    cp.wait()
            _for_core(lambda: _scat((0, 1, 2)), lambda: _scat((3, 4)))
        plsc.subcore_barrier()

    with scope("copyout_phase"):
        def _cpout(chs):
            for ch in chs:
                for k in range(2):
                    base = ss * PIX_C + k * PIX_W
                    pltpu.sync_copy(accs[ch].at[pl.ds(base, PIX_W)],
                                    cbuf.at[pl.ds(0, PIX_W)])
                    pltpu.sync_copy(cbuf.at[pl.ds(0, PIX_W)],
                                    outs[ch].at[pl.ds(base, PIX_W)])
        _for_core(lambda: _cpout((0, 1, 2)), lambda: _cpout((3, 4)))


def kernel(md_1_for, means2D):
    mdp = jnp.pad(md_1_for, ((0, NP - N), (0, 0)))
    mep = jnp.pad(means2D, ((0, NP - N), (0, 0)))
    cols = [mdp[:, i].reshape(ROWS, 128) for i in (0, 1, 2, 3, 4)]
    mx = mep[:, 0].reshape(ROWS, 128)
    my = mep[:, 1].reshape(ROWS, 128)
    o0, o1, o2, o3, o4, idx = _pre(cols[0], cols[1], cols[2], cols[3],
                                   cols[4], mx, my)
    r1 = lambda a: a.reshape(NP)
    c0a, c1a, c2a, dpa, wa = _make_sc()(r1(o0), r1(o1), r1(o2), r1(o3),
                                        r1(o4), r1(idx))
    denom = jnp.maximum(wa, 1e-8)
    color = (jnp.stack([c0a, c1a, c2a], axis=-1)
             / denom[:, None]).reshape(H, W, 3)
    depth = (dpa / denom).reshape(H, W, 1)
    sil = jnp.clip(wa, 0.0, 1.0).reshape(H, W, 1)
    return (color, depth, sil)

# --- scband reference (transcript-rebuilt; emitter-appended) ---
"""Pipeline reference for scband-gaussian-rasterizer-79714593014349 (READ-ONLY COPY).

The authoritative reference and input builder live on the scoring server;
editing this copy changes nothing except your own understanding.
"""

import jax, jax.numpy as jnp
import numpy as np

H, W = 360, 480
N = 100000


def setup_inputs(seed: int = 0) -> dict:
    key = jax.random.key(seed)
    k1, k2 = jax.random.split(key)
    md_1_for = jax.random.normal(k1, (N, 7), dtype=jnp.float32)
    means2D = jax.random.uniform(k2, (N, 2), dtype=jnp.float32)
    return {"md_1_for": md_1_for, "means2D": means2D}


def reference(md_1_for, means2D):
    # Plausible reimplementation of the opaque ol_forward CUDA rasterizer:
    # point-splat gaussians onto a fixed 360x480 canvas via scatter-add
    # (segment_sum), producing (color[360,480,3], depth[360,480,1], sil[360,480,1])
    # exactly matching the reshapes in _RasterizeGaussians.forward.
    color_raw = md_1_for[:, 0:3]
    opacity = jax.nn.sigmoid(md_1_for[:, 3])
    depth_raw = jax.nn.softplus(md_1_for[:, 4])

    # map normalized means2D to integer pixel coordinates (non-differentiable,
    # consistent with original backward returning None grad for means2D)
    px = jnp.clip(jnp.floor(means2D[:, 0] * W), 0, W - 1).astype(jnp.int32)
    py = jnp.clip(jnp.floor(means2D[:, 1] * H), 0, H - 1).astype(jnp.int32)
    flat = py * W + px

    npix = H * W
    w = opacity
    col_acc = jax.ops.segment_sum(color_raw * w[:, None], flat, num_segments=npix)
    dep_acc = jax.ops.segment_sum(depth_raw * w, flat, num_segments=npix)
    w_acc = jax.ops.segment_sum(w, flat, num_segments=npix)

    denom = jnp.maximum(w_acc, 1e-8)
    color = (col_acc / denom[:, None]).reshape(H, W, 3)
    depth = (dep_acc / denom).reshape(H, W, 1)
    sil = jnp.clip(w_acc, 0.0, 1.0).reshape(H, W, 1)
    return (color, depth, sil)

if __name__ == "__main__":
    import jax
    _d = setup_inputs()
    print(jax.jit(kernel)(*tuple(_d.values())))

</pallas_src>

<mosaic_0001>
#map = affine_map<(d0, d1) -> (0)>
module attributes {stable_mosaic.version = 14 : i64} {
  func.func @_sc_body(%arg0: i32, %arg1: i32, %arg2: memref<102400xf32, #tpu.memory_space<hbm>>, %arg3: memref<102400xf32, #tpu.memory_space<hbm>>, %arg4: memref<102400xf32, #tpu.memory_space<hbm>>, %arg5: memref<102400xf32, #tpu.memory_space<hbm>>, %arg6: memref<102400xf32, #tpu.memory_space<hbm>>, %arg7: memref<102400xi32, #tpu.memory_space<hbm>>, %arg8: memref<172800xf32, #tpu.memory_space<hbm>>, %arg9: memref<172800xf32, #tpu.memory_space<hbm>>, %arg10: memref<172800xf32, #tpu.memory_space<hbm>>, %arg11: memref<172800xf32, #tpu.memory_space<hbm>>, %arg12: memref<172800xf32, #tpu.memory_space<hbm>>, %arg13: memref<1280xi32, #tpu.memory_space<vmem>>, %arg14: memref<1280xi32, #tpu.memory_space<vmem>>, %arg15: memref<1280xf32, #tpu.memory_space<vmem>>, %arg16: memref<1280xf32, #tpu.memory_space<vmem>>, %arg17: memref<1280xf32, #tpu.memory_space<vmem>>, %arg18: memref<1280xf32, #tpu.memory_space<vmem>>, %arg19: memref<1280xf32, #tpu.memory_space<vmem>>, %arg20: memref<1280xf32, #tpu.memory_space<vmem>>, %arg21: memref<1280xf32, #tpu.memory_space<vmem>>, %arg22: memref<1280xf32, #tpu.memory_space<vmem>>, %arg23: memref<1280xf32, #tpu.memory_space<vmem>>, %arg24: memref<1280xf32, #tpu.memory_space<vmem>>, %arg25: memref<5408xf32, #tpu.memory_space<vmem>>, %arg26: memref<172800xf32, #tpu.memory_space<vmem_shared>>, %arg27: memref<172800xf32, #tpu.memory_space<vmem_shared>>, %arg28: memref<172800xf32, #tpu.memory_space<vmem_shared>>, %arg29: memref<172800xf32, #tpu.memory_space<vmem_shared>>, %arg30: memref<172800xf32, #tpu.memory_space<vmem_shared>>, %arg31: memref<!tpu.dma_semaphore, #tpu.memory_space<semaphore_mem>>, %arg32: memref<!tpu.dma_semaphore, #tpu.memory_space<semaphore_mem>>) attributes {dimension_semantics = [#tpu.dimension_semantics<core_parallel>, #tpu.dimension_semantics<subcore_parallel>], iteration_bounds = array<i64: 2, 16>, scalar_prefetch = 0 : i64, scratch_operands = 20 : i64, tpu.core_type = #tpu.core_type<sc_vector_subcore>, window_params = [{transform_indices = #map}, {transform_indices = #map}, {transform_indices = #map}, {transform_indices = #map}, {transform_indices = #map}, {transform_indices = #map}, {transform_indices = #map}, {transform_indices = #map}, {transform_indices = #map}, {transform_indices = #map}, {transform_indices = #map}]} {
    %mul3A = arith.constant 50 : i32
    %mul3A_0 = arith.muli %arg1, %mul3A : i32
    %mul3A_1 = arith.constant 128 : i32
    %mul3A_2 = arith.muli %mul3A_0, %mul3A_1 : i32
    %eq3A = arith.constant 0 : i32
    %eq3A_3 = arith.cmpi eq, %arg0, %eq3A : i32
    %convert_element_type3A = arith.extui %eq3A_3 : i1 to i32
    %cond3A = arith.constant 0 : i32
    %cond3A_4 = arith.cmpi ne, %convert_element_type3A, %cond3A : i32
    scf.if %cond3A_4 {
      %add3A_242 = arith.constant 0 : i32
      %add3A_243 = arith.addi %mul3A_2, %add3A_242 : i32
      %dma_start3A_244 = tpu.memref_slice %arg2[%add3A_243] : memref<102400xf32, #tpu.memory_space<hbm>> -> memref<1280xf32, #tpu.memory_space<hbm>>
      %dma_start3A_245 = tpu.memref_slice %arg2[%add3A_243] : memref<102400xf32, #tpu.memory_space<hbm>> -> memref<1280xf32, #tpu.memory_space<hbm>>
      tpu.enqueue_dma source(%dma_start3A_245 : memref<1280xf32, #tpu.memory_space<hbm>>) target(%arg15 : memref<1280xf32, #tpu.memory_space<vmem>>) target_semaphore(%arg31 : memref<!tpu.dma_semaphore, #tpu.memory_space<semaphore_mem>>)
      %add3A_246 = arith.constant 0 : i32
      %add3A_247 = arith.addi %mul3A_2, %add3A_246 : i32
      %dma_start3A_248 = tpu.memref_slice %arg3[%add3A_247] : memref<102400xf32, #tpu.memory_space<hbm>> -> memref<1280xf32, #tpu.memory_space<hbm>>
      %dma_start3A_249 = tpu.memref_slice %arg3[%add3A_247] : memref<102400xf32, #tpu.memory_space<hbm>> -> memref<1280xf32, #tpu.memory_space<hbm>>
      tpu.enqueue_dma source(%dma_start3A_249 : memref<1280xf32, #tpu.memory_space<hbm>>) target(%arg16 : memref<1280xf32, #tpu.memory_space<vmem>>) target_semaphore(%arg31 : memref<!tpu.dma_semaphore, #tpu.memory_space<semaphore_mem>>)
      %add3A_250 = arith.constant 0 : i32
      %add3A_251 = arith.addi %mul3A_2, %add3A_250 : i32
      %dma_start3A_252 = tpu.memref_slice %arg4[%add3A_251] : memref<102400xf32, #tpu.memory_space<hbm>> -> memref<1280xf32, #tpu.memory_space<hbm>>
      %dma_start3A_253 = tpu.memref_slice %arg4[%add3A_251] : memref<102400xf32, #tpu.memory_space<hbm>> -> memref<1280xf32, #tpu.memory_space<hbm>>
      tpu.enqueue_dma source(%dma_start3A_253 : memref<1280xf32, #tpu.memory_space<hbm>>) target(%arg17 : memref<1280xf32, #tpu.memory_space<vmem>>) target_semaphore(%arg31 : memref<!tpu.dma_semaphore, #tpu.memory_space<semaphore_mem>>)
      %add3A_254 = arith.constant 0 : i32
      %add3A_255 = arith.addi %mul3A_2, %add3A_254 : i32
      %dma_start3A_256 = tpu.memref_slice %arg7[%add3A_255] : memref<102400xi32, #tpu.memory_space<hbm>> -> memref<1280xi32, #tpu.memory_space<hbm>>
      %dma_start3A_257 = tpu.memref_slice %arg7[%add3A_255] : memref<102400xi32, #tpu.memory_space<hbm>> -> memref<1280xi32, #tpu.memory_space<hbm>>
      tpu.enqueue_dma source(%dma_start3A_257 : memref<1280xi32, #tpu.memory_space<hbm>>) target(%arg13 : memref<1280xi32, #tpu.memory_space<vmem>>) target_semaphore(%arg31 : memref<!tpu.dma_semaphore, #tpu.memory_space<semaphore_mem>>)
    } else {
    }
    %ne3A = arith.constant 0 : i32
    %ne3A_5 = arith.cmpi ne, %arg0, %ne3A : i32
    %convert_element_type3A_6 = arith.extui %ne3A_5 : i1 to i32
    %cond3A_7 = arith.constant 0 : i32
    %cond3A_8 = arith.cmpi ne, %convert_element_type3A_6, %cond3A_7 : i32
    scf.if %cond3A_8 {
      %add3A_242 = arith.constant 0 : i32
      %add3A_243 = arith.addi %mul3A_2, %add3A_242 : i32
      %dma_start3A_244 = tpu.memref_slice %arg5[%add3A_243] : memref<102400xf32, #tpu.memory_space<hbm>> -> memref<1280xf32, #tpu.memory_space<hbm>>
      %dma_start3A_245 = tpu.memref_slice %arg5[%add3A_243] : memref<102400xf32, #tpu.memory_space<hbm>> -> memref<1280xf32, #tpu.memory_space<hbm>>
      tpu.enqueue_dma source(%dma_start3A_245 : memref<1280xf32, #tpu.memory_space<hbm>>) target(%arg18 : memref<1280xf32, #tpu.memory_space<vmem>>) target_semaphore(%arg31 : memref<!tpu.dma_semaphore, #tpu.memory_space<semaphore_mem>>)
      %add3A_246 = arith.constant 0 : i32
      %add3A_247 = arith.addi %mul3A_2, %add3A_246 : i32
      %dma_start3A_248 = tpu.memref_slice %arg6[%add3A_247] : memref<102400xf32, #tpu.memory_space<hbm>> -> memref<1280xf32, #tpu.memory_space<hbm>>
      %dma_start3A_249 = tpu.memref_slice %arg6[%add3A_247] : memref<102400xf32, #tpu.memory_space<hbm>> -> memref<1280xf32, #tpu.memory_space<hbm>>
      tpu.enqueue_dma source(%dma_start3A_249 : memref<1280xf32, #tpu.memory_space<hbm>>) target(%arg19 : memref<1280xf32, #tpu.memory_space<vmem>>) target_semaphore(%arg31 : memref<!tpu.dma_semaphore, #tpu.memory_space<semaphore_mem>>)
      %add3A_250 = arith.constant 0 : i32
      %add3A_251 = arith.addi %mul3A_2, %add3A_250 : i32
      %dma_start3A_252 = tpu.memref_slice %arg7[%add3A_251] : memref<102400xi32, #tpu.memory_space<hbm>> -> memref<1280xi32, #tpu.memory_space<hbm>>
      %dma_start3A_253 = tpu.memref_slice %arg7[%add3A_251] : memref<102400xi32, #tpu.memory_space<hbm>> -> memref<1280xi32, #tpu.memory_space<hbm>>
      tpu.enqueue_dma source(%dma_start3A_253 : memref<1280xi32, #tpu.memory_space<hbm>>) target(%arg13 : memref<1280xi32, #tpu.memory_space<vmem>>) target_semaphore(%arg31 : memref<!tpu.dma_semaphore, #tpu.memory_space<semaphore_mem>>)
    } else {
    }
    "tpu.trace_start"() <{level = 10 : i32, message = "zero_phase"}> : () -> ()
    %scan3A = arith.constant 0 : i32
    %scan3A_9 = arith.constant 0 : i32
    %scan3A_10 = arith.constant 338 : i32
    %scan3A_11 = arith.addi %scan3A_9, %scan3A_10 : i32
    %scan3A_12 = arith.constant 1 : i32
    scf.for %scan3A_242 = %scan3A_9 to %scan3A_11 step %scan3A_12  : i32 {
      %broadcast_in_dim3A = arith.constant 0.000000e+00 : f32
      %broadcast_in_dim3A_243 = vector.broadcast %broadcast_in_dim3A : f32 to vector<16xf32>
      %mul3A_244 = arith.constant 16 : i32
      %mul3A_245 = arith.muli %scan3A_242, %mul3A_244 : i32
      %swap3A = arith.index_cast %mul3A_245 : i32 to index
      %swap3A_246 = tpu.vector_load %arg25[%swap3A] {strides = array<i32>} : memref<5408xf32, #tpu.memory_space<vmem>>, vector<16xf32>,
      tpu.vector_store %arg25[%swap3A], %broadcast_in_dim3A_243 {strides = array<i32>} : memref<5408xf32, #tpu.memory_space<vmem>>, vector<16xf32>,
    }
    %scan3A_13 = arith.constant 338 : i32
    %mul3A_14 = arith.constant 10800 : i32
    %mul3A_15 = arith.muli %arg1, %mul3A_14 : i32
    %add3A = arith.constant 0 : i32
    %add3A_16 = arith.addi %mul3A_15, %add3A : i32
    %dma_start3A = arith.constant 0 : i32
    %dma_start3A_17 = tpu.memref_slice %arg25[%dma_start3A] : memref<5408xf32, #tpu.memory_space<vmem>> -> memref<5400xf32, #tpu.memory_space<vmem>>
    %dma_start3A_18 = tpu.memref_slice %arg26[%add3A_16] : memref<172800xf32, #tpu.memory_space<vmem_shared>> -> memref<5400xf32, #tpu.memory_space<vmem_shared>>
    %dma_start3A_19 = tpu.memref_slice %arg26[%add3A_16] : memref<172800xf32, #tpu.memory_space<vmem_shared>> -> memref<5400xf32, #tpu.memory_space<vmem_shared>>
    %dma_start3A_20 = arith.constant 0 : i32
    %dma_start3A_21 = tpu.memref_slice %arg25[%dma_start3A_20] : memref<5408xf32, #tpu.memory_space<vmem>> -> memref<5400xf32, #tpu.memory_space<vmem>>
    tpu.enqueue_dma source(%dma_start3A_21 : memref<5400xf32, #tpu.memory_space<vmem>>) target(%dma_start3A_19 : memref<5400xf32, #tpu.memory_space<vmem_shared>>) target_semaphore(%arg32 : memref<!tpu.dma_semaphore, #tpu.memory_space<semaphore_mem>>)
    %mul3A_22 = arith.constant 10800 : i32
    %mul3A_23 = arith.muli %arg1, %mul3A_22 : i32
    %add3A_24 = arith.constant 5400 : i32
    %add3A_25 = arith.addi %mul3A_23, %add3A_24 : i32
    %dma_start3A_26 = arith.constant 0 : i32
    %dma_start3A_27 = tpu.memref_slice %arg25[%dma_start3A_26] : memref<5408xf32, #tpu.memory_space<vmem>> -> memref<5400xf32, #tpu.memory_space<vmem>>
    %dma_start3A_28 = tpu.memref_slice %arg26[%add3A_25] : memref<172800xf32, #tpu.memory_space<vmem_shared>> -> memref<5400xf32, #tpu.memory_space<vmem_shared>>
    %dma_start3A_29 = tpu.memref_slice %arg26[%add3A_25] : memref<172800xf32, #tpu.memory_space<vmem_shared>> -> memref<5400xf32, #tpu.memory_space<vmem_shared>>
    %dma_start3A_30 = arith.constant 0 : i32
    %dma_start3A_31 = tpu.memref_slice %arg25[%dma_start3A_30] : memref<5408xf32, #tpu.memory_space<vmem>> -> memref<5400xf32, #tpu.memory_space<vmem>>
    tpu.enqueue_dma source(%dma_start3A_31 : memref<5400xf32, #tpu.memory_space<vmem>>) target(%dma_start3A_29 : memref<5400xf32, #tpu.memory_space<vmem_shared>>) target_semaphore(%arg32 : memref<!tpu.dma_semaphore, #tpu.memory_space<semaphore_mem>>)
    %mul3A_32 = arith.constant 10800 : i32
    %mul3A_33 = arith.muli %arg1, %mul3A_32 : i32
    %add3A_34 = arith.constant 0 : i32
    %add3A_35 = arith.addi %mul3A_33, %add3A_34 : i32
    %dma_start3A_36 = arith.constant 0 : i32
    %dma_start3A_37 = tpu.memref_slice %arg25[%dma_start3A_36] : memref<5408xf32, #tpu.memory_space<vmem>> -> memref<5400xf32, #tpu.memory_space<vmem>>
    %dma_start3A_38 = tpu.memref_slice %arg27[%add3A_35] : memref<172800xf32, #tpu.memory_space<vmem_shared>> -> memref<5400xf32, #tpu.memory_space<vmem_shared>>
    %dma_start3A_39 = tpu.memref_slice %arg27[%add3A_35] : memref<172800xf32, #tpu.memory_space<vmem_shared>> -> memref<5400xf32, #tpu.memory_space<vmem_shared>>
    %dma_start3A_40 = arith.constant 0 : i32
    %dma_start3A_41 = tpu.memref_slice %arg25[%dma_start3A_40] : memref<5408xf32, #tpu.memory_space<vmem>> -> memref<5400xf32, #tpu.memory_space<vmem>>
    tpu.enqueue_dma source(%dma_start3A_41 : memref<5400xf32, #tpu.memory_space<vmem>>) target(%dma_start3A_39 : memref<5400xf32, #tpu.memory_space<vmem_shared>>) target_semaphore(%arg32 : memref<!tpu.dma_semaphore, #tpu.memory_space<semaphore_mem>>)
    %mul3A_42 = arith.constant 10800 : i32
    %mul3A_43 = arith.muli %arg1, %mul3A_42 : i32
    %add3A_44 = arith.constant 5400 : i32
    %add3A_45 = arith.addi %mul3A_43, %add3A_44 : i32
    %dma_start3A_46 = arith.constant 0 : i32
    %dma_start3A_47 = tpu.memref_slice %arg25[%dma_start3A_46] : memref<5408xf32, #tpu.memory_space<vmem>> -> memref<5400xf32, #tpu.memory_space<vmem>>
    %dma_start3A_48 = tpu.memref_slice %arg27[%add3A_45] : memref<172800xf32, #tpu.memory_space<vmem_shared>> -> memref<5400xf32, #tpu.memory_space<vmem_shared>>
    %dma_start3A_49 = tpu.memref_slice %arg27[%add3A_45] : memref<172800xf32, #tpu.memory_space<vmem_shared>> -> memref<5400xf32, #tpu.memory_space<vmem_shared>>
    %dma_start3A_50 = arith.constant 0 : i32
    %dma_start3A_51 = tpu.memref_slice %arg25[%dma_start3A_50] : memref<5408xf32, #tpu.memory_space<vmem>> -> memref<5400xf32, #tpu.memory_space<vmem>>
    tpu.enqueue_dma source(%dma_start3A_51 : memref<5400xf32, #tpu.memory_space<vmem>>) target(%dma_start3A_49 : memref<5400xf32, #tpu.memory_space<vmem_shared>>) target_semaphore(%arg32 : memref<!tpu.dma_semaphore, #tpu.memory_space<semaphore_mem>>)
    %mul3A_52 = arith.constant 10800 : i32
    %mul3A_53 = arith.muli %arg1, %mul3A_52 : i32
    %add3A_54 = arith.constant 0 : i32
    %add3A_55 = arith.addi %mul3A_53, %add3A_54 : i32
    %dma_start3A_56 = arith.constant 0 : i32
    %dma_start3A_57 = tpu.memref_slice %arg25[%dma_start3A_56] : memref<5408xf32, #tpu.memory_space<vmem>> -> memref<5400xf32, #tpu.memory_space<vmem>>
    %dma_start3A_58 = tpu.memref_slice %arg28[%add3A_55] : memref<172800xf32, #tpu.memory_space<vmem_shared>> -> memref<5400xf32, #tpu.memory_space<vmem_shared>>
    %dma_start3A_59 = tpu.memref_slice %arg28[%add3A_55] : memref<172800xf32, #tpu.memory_space<vmem_shared>> -> memref<5400xf32, #tpu.memory_space<vmem_shared>>
    %dma_start3A_60 = arith.constant 0 : i32
    %dma_start3A_61 = tpu.memref_slice %arg25[%dma_start3A_60] : memref<5408xf32, #tpu.memory_space<vmem>> -> memref<5400xf32, #tpu.memory_space<vmem>>
    tpu.enqueue_dma source(%dma_start3A_61 : memref<5400xf32, #tpu.memory_space<vmem>>) target(%dma_start3A_59 : memref<5400xf32, #tpu.memory_space<vmem_shared>>) target_semaphore(%arg32 : memref<!tpu.dma_semaphore, #tpu.memory_space<semaphore_mem>>)
    %mul3A_62 = arith.constant 10800 : i32
    %mul3A_63 = arith.muli %arg1, %mul3A_62 : i32
    %add3A_64 = arith.constant 5400 : i32
    %add3A_65 = arith.addi %mul3A_63, %add3A_64 : i32
    %dma_start3A_66 = arith.constant 0 : i32
    %dma_start3A_67 = tpu.memref_slice %arg25[%dma_start3A_66] : memref<5408xf32, #tpu.memory_space<vmem>> -> memref<5400xf32, #tpu.memory_space<vmem>>
    %dma_start3A_68 = tpu.memref_slice %arg28[%add3A_65] : memref<172800xf32, #tpu.memory_space<vmem_shared>> -> memref<5400xf32, #tpu.memory_space<vmem_shared>>
    %dma_start3A_69 = tpu.memref_slice %arg28[%add3A_65] : memref<172800xf32, #tpu.memory_space<vmem_shared>> -> memref<5400xf32, #tpu.memory_space<vmem_shared>>
    %dma_start3A_70 = arith.constant 0 : i32
    %dma_start3A_71 = tpu.memref_slice %arg25[%dma_start3A_70] : memref<5408xf32, #tpu.memory_space<vmem>> -> memref<5400xf32, #tpu.memory_space<vmem>>
    tpu.enqueue_dma source(%dma_start3A_71 : memref<5400xf32, #tpu.memory_space<vmem>>) target(%dma_start3A_69 : memref<5400xf32, #tpu.memory_space<vmem_shared>>) target_semaphore(%arg32 : memref<!tpu.dma_semaphore, #tpu.memory_space<semaphore_mem>>)
    %mul3A_72 = arith.constant 10800 : i32
    %mul3A_73 = arith.muli %arg1, %mul3A_72 : i32
    %add3A_74 = arith.constant 0 : i32
    %add3A_75 = arith.addi %mul3A_73, %add3A_74 : i32
    %dma_start3A_76 = arith.constant 0 : i32
    %dma_start3A_77 = tpu.memref_slice %arg25[%dma_start3A_76] : memref<5408xf32, #tpu.memory_space<vmem>> -> memref<5400xf32, #tpu.memory_space<vmem>>
    %dma_start3A_78 = tpu.memref_slice %arg29[%add3A_75] : memref<172800xf32, #tpu.memory_space<vmem_shared>> -> memref<5400xf32, #tpu.memory_space<vmem_shared>>
    %dma_start3A_79 = tpu.memref_slice %arg29[%add3A_75] : memref<172800xf32, #tpu.memory_space<vmem_shared>> -> memref<5400xf32, #tpu.memory_space<vmem_shared>>
    %dma_start3A_80 = arith.constant 0 : i32
    %dma_start3A_81 = tpu.memref_slice %arg25[%dma_start3A_80] : memref<5408xf32, #tpu.memory_space<vmem>> -> memref<5400xf32, #tpu.memory_space<vmem>>
    tpu.enqueue_dma source(%dma_start3A_81 : memref<5400xf32, #tpu.memory_space<vmem>>) target(%dma_start3A_79 : memref<5400xf32, #tpu.memory_space<vmem_shared>>) target_semaphore(%arg32 : memref<!tpu.dma_semaphore, #tpu.memory_space<semaphore_mem>>)
    %mul3A_82 = arith.constant 10800 : i32
    %mul3A_83 = arith.muli %arg1, %mul3A_82 : i32
    %add3A_84 = arith.constant 5400 : i32
    %add3A_85 = arith.addi %mul3A_83, %add3A_84 : i32
    %dma_start3A_86 = arith.constant 0 : i32
    %dma_start3A_87 = tpu.memref_slice %arg25[%dma_start3A_86] : memref<5408xf32, #tpu.memory_space<vmem>> -> memref<5400xf32, #tpu.memory_space<vmem>>
    %dma_start3A_88 = tpu.memref_slice %arg29[%add3A_85] : memref<172800xf32, #tpu.memory_space<vmem_shared>> -> memref<5400xf32, #tpu.memory_space<vmem_shared>>
    %dma_start3A_89 = tpu.memref_slice %arg29[%add3A_85] : memref<172800xf32, #tpu.memory_space<vmem_shared>> -> memref<5400xf32, #tpu.memory_space<vmem_shared>>
    %dma_start3A_90 = arith.constant 0 : i32
    %dma_start3A_91 = tpu.memref_slice %arg25[%dma_start3A_90] : memref<5408xf32, #tpu.memory_space<vmem>> -> memref<5400xf32, #tpu.memory_space<vmem>>
    tpu.enqueue_dma source(%dma_start3A_91 : memref<5400xf32, #tpu.memory_space<vmem>>) target(%dma_start3A_89 : memref<5400xf32, #tpu.memory_space<vmem_shared>>) target_semaphore(%arg32 : memref<!tpu.dma_semaphore, #tpu.memory_space<semaphore_mem>>)
    %mul3A_92 = arith.constant 10800 : i32
    %mul3A_93 = arith.muli %arg1, %mul3A_92 : i32
    %add3A_94 = arith.constant 0 : i32
    %add3A_95 = arith.addi %mul3A_93, %add3A_94 : i32
    %dma_start3A_96 = arith.constant 0 : i32
    %dma_start3A_97 = tpu.memref_slice %arg25[%dma_start3A_96] : memref<5408xf32, #tpu.memory_space<vmem>> -> memref<5400xf32, #tpu.memory_space<vmem>>
    %dma_start3A_98 = tpu.memref_slice %arg30[%add3A_95] : memref<172800xf32, #tpu.memory_space<vmem_shared>> -> memref<5400xf32, #tpu.memory_space<vmem_shared>>
    %dma_start3A_99 = tpu.memref_slice %arg30[%add3A_95] : memref<172800xf32, #tpu.memory_space<vmem_shared>> -> memref<5400xf32, #tpu.memory_space<vmem_shared>>
    %dma_start3A_100 = arith.constant 0 : i32
    %dma_start3A_101 = tpu.memref_slice %arg25[%dma_start3A_100] : memref<5408xf32, #tpu.memory_space<vmem>> -> memref<5400xf32, #tpu.memory_space<vmem>>
    tpu.enqueue_dma source(%dma_start3A_101 : memref<5400xf32, #tpu.memory_space<vmem>>) target(%dma_start3A_99 : memref<5400xf32, #tpu.memory_space<vmem_shared>>) target_semaphore(%arg32 : memref<!tpu.dma_semaphore, #tpu.memory_space<semaphore_mem>>)
    %mul3A_102 = arith.constant 10800 : i32
    %mul3A_103 = arith.muli %arg1, %mul3A_102 : i32
    %add3A_104 = arith.constant 5400 : i32
    %add3A_105 = arith.addi %mul3A_103, %add3A_104 : i32
    %dma_start3A_106 = arith.constant 0 : i32
    %dma_start3A_107 = tpu.memref_slice %arg25[%dma_start3A_106] : memref<5408xf32, #tpu.memory_space<vmem>> -> memref<5400xf32, #tpu.memory_space<vmem>>
    %dma_start3A_108 = tpu.memref_slice %arg30[%add3A_105] : memref<172800xf32, #tpu.memory_space<vmem_shared>> -> memref<5400xf32, #tpu.memory_space<vmem_shared>>
    %dma_start3A_109 = tpu.memref_slice %arg30[%add3A_105] : memref<172800xf32, #tpu.memory_space<vmem_shared>> -> memref<5400xf32, #tpu.memory_space<vmem_shared>>
    %dma_start3A_110 = arith.constant 0 : i32
    %dma_start3A_111 = tpu.memref_slice %arg25[%dma_start3A_110] : memref<5408xf32, #tpu.memory_space<vmem>> -> memref<5400xf32, #tpu.memory_space<vmem>>
    tpu.enqueue_dma source(%dma_start3A_111 : memref<5400xf32, #tpu.memory_space<vmem>>) target(%dma_start3A_109 : memref<5400xf32, #tpu.memory_space<vmem_shared>>) target_semaphore(%arg32 : memref<!tpu.dma_semaphore, #tpu.memory_space<semaphore_mem>>)
    %dma_wait3A = arith.constant 0 : i32
    %dma_wait3A_112 = tpu.memref_slice %arg25[%dma_wait3A] : memref<5408xf32, #tpu.memory_space<vmem>> -> memref<5400xf32, #tpu.memory_space<vmem>>
    %dma_wait3A_113 = tpu.memref_slice %arg26[%add3A_16] : memref<172800xf32, #tpu.memory_space<vmem_shared>> -> memref<5400xf32, #tpu.memory_space<vmem_shared>>
    %dma_wait3A_114 = tpu.memref_slice %arg26[%add3A_16] : memref<172800xf32, #tpu.memory_space<vmem_shared>> -> memref<5400xf32, #tpu.memory_space<vmem_shared>>
    %dma_wait3A_115 = arith.constant 0 : i32
    %dma_wait3A_116 = tpu.memref_slice %arg25[%dma_wait3A_115] : memref<5408xf32, #tpu.memory_space<vmem>> -> memref<5400xf32, #tpu.memory_space<vmem>>
    tpu.wait_dma2 semaphore(%arg32 : memref<!tpu.dma_semaphore, #tpu.memory_space<semaphore_mem>>) src(%dma_wait3A_116 : memref<5400xf32, #tpu.memory_space<vmem>>) dst(%dma_wait3A_114 : memref<5400xf32, #tpu.memory_space<vmem_shared>>)
    %dma_wait3A_117 = arith.constant 0 : i32
    %dma_wait3A_118 = tpu.memref_slice %arg25[%dma_wait3A_117] : memref<5408xf32, #tpu.memory_space<vmem>> -> memref<5400xf32, #tpu.memory_space<vmem>>
    %dma_wait3A_119 = tpu.memref_slice %arg26[%add3A_25] : memref<172800xf32, #tpu.memory_space<vmem_shared>> -> memref<5400xf32, #tpu.memory_space<vmem_shared>>
    %dma_wait3A_120 = tpu.memref_slice %arg26[%add3A_25] : memref<172800xf32, #tpu.memory_space<vmem_shared>> -> memref<5400xf32, #tpu.memory_space<vmem_shared>>
    %dma_wait3A_121 = arith.constant 0 : i32
    %dma_wait3A_122 = tpu.memref_slice %arg25[%dma_wait3A_121] : memref<5408xf32, #tpu.memory_space<vmem>> -> memref<5400xf32, #tpu.memory_space<vmem>>
    tpu.wait_dma2 semaphore(%arg32 : memref<!tpu.dma_semaphore, #tpu.memory_space<semaphore_mem>>) src(%dma_wait3A_122 : memref<5400xf32, #tpu.memory_space<vmem>>) dst(%dma_wait3A_120 : memref<5400xf32, #tpu.memory_space<vmem_shared>>)
    %dma_wait3A_123 = arith.constant 0 : i32
    %dma_wait3A_124 = tpu.memref_slice %arg25[%dma_wait3A_123] : memref<5408xf32, #tpu.memory_space<vmem>> -> memref<5400xf32, #tpu.memory_space<vmem>>
    %dma_wait3A_125 = tpu.memref_slice %arg27[%add3A_35] : memref<172800xf32, #tpu.memory_space<vmem_shared>> -> memref<5400xf32, #tpu.memory_space<vmem_shared>>
    %dma_wait3A_126 = tpu.memref_slice %arg27[%add3A_35] : memref<172800xf32, #tpu.memory_space<vmem_shared>> -> memref<5400xf32, #tpu.memory_space<vmem_shared>>
    %dma_wait3A_127 = arith.constant 0 : i32
    %dma_wait3A_128 = tpu.memref_slice %arg25[%dma_wait3A_127] : memref<5408xf32, #tpu.memory_space<vmem>> -> memref<5400xf32, #tpu.memory_space<vmem>>
    tpu.wait_dma2 semaphore(%arg32 : memref<!tpu.dma_semaphore, #tpu.memory_space<semaphore_mem>>) src(%dma_wait3A_128 : memref<5400xf32, #tpu.memory_space<vmem>>) dst(%dma_wait3A_126 : memref<5400xf32, #tpu.memory_space<vmem_shared>>)
    %dma_wait3A_129 = arith.constant 0 : i32
    %dma_wait3A_130 = tpu.memref_slice %arg25[%dma_wait3A_129] : memref<5408xf32, #tpu.memory_space<vmem>> -> memref<5400xf32, #tpu.memory_space<vmem>>
    %dma_wait3A_131 = tpu.memref_slice %arg27[%add3A_45] : memref<172800xf32, #tpu.memory_space<vmem_shared>> -> memref<5400xf32, #tpu.memory_space<vmem_shared>>
    %dma_wait3A_132 = tpu.memref_slice %arg27[%add3A_45] : memref<172800xf32, #tpu.memory_space<vmem_shared>> -> memref<5400xf32, #tpu.memory_space<vmem_shared>>
    %dma_wait3A_133 = arith.constant 0 : i32
    %dma_wait3A_134 = tpu.memref_slice %arg25[%dma_wait3A_133] : memref<5408xf32, #tpu.memory_space<vmem>> -> memref<5400xf32, #tpu.memory_space<vmem>>
    tpu.wait_dma2 semaphore(%arg32 : memref<!tpu.dma_semaphore, #tpu.memory_space<semaphore_mem>>) src(%dma_wait3A_134 : memref<5400xf32, #tpu.memory_space<vmem>>) dst(%dma_wait3A_132 : memref<5400xf32, #tpu.memory_space<vmem_shared>>)
    %dma_wait3A_135 = arith.constant 0 : i32
    %dma_wait3A_136 = tpu.memref_slice %arg25[%dma_wait3A_135] : memref<5408xf32, #tpu.memory_space<vmem>> -> memref<5400xf32, #tpu.memory_space<vmem>>
    %dma_wait3A_137 = tpu.memref_slice %arg28[%add3A_55] : memref<172800xf32, #tpu.memory_space<vmem_shared>> -> memref<5400xf32, #tpu.memory_space<vmem_shared>>
    %dma_wait3A_138 = tpu.memref_slice %arg28[%add3A_55] : memref<172800xf32, #tpu.memory_space<vmem_shared>> -> memref<5400xf32, #tpu.memory_space<vmem_shared>>
    %dma_wait3A_139 = arith.constant 0 : i32
    %dma_wait3A_140 = tpu.memref_slice %arg25[%dma_wait3A_139] : memref<5408xf32, #tpu.memory_space<vmem>> -> memref<5400xf32, #tpu.memory_space<vmem>>
    tpu.wait_dma2 semaphore(%arg32 : memref<!tpu.dma_semaphore, #tpu.memory_space<semaphore_mem>>) src(%dma_wait3A_140 : memref<5400xf32, #tpu.memory_space<vmem>>) dst(%dma_wait3A_138 : memref<5400xf32, #tpu.memory_space<vmem_shared>>)
    %dma_wait3A_141 = arith.constant 0 : i32
    %dma_wait3A_142 = tpu.memref_slice %arg25[%dma_wait3A_141] : memref<5408xf32, #tpu.memory_space<vmem>> -> memref<5400xf32, #tpu.memory_space<vmem>>
    %dma_wait3A_143 = tpu.memref_slice %arg28[%add3A_65] : memref<172800xf32, #tpu.memory_space<vmem_shared>> -> memref<5400xf32, #tpu.memory_space<vmem_shared>>
    %dma_wait3A_144 = tpu.memref_slice %arg28[%add3A_65] : memref<172800xf32, #tpu.memory_space<vmem_shared>> -> memref<5400xf32, #tpu.memory_space<vmem_shared>>
    %dma_wait3A_145 = arith.constant 0 : i32
    %dma_wait3A_146 = tpu.memref_slice %arg25[%dma_wait3A_145] : memref<5408xf32, #tpu.memory_space<vmem>> -> memref<5400xf32, #tpu.memory_space<vmem>>
    tpu.wait_dma2 semaphore(%arg32 : memref<!tpu.dma_semaphore, #tpu.memory_space<semaphore_mem>>) src(%dma_wait3A_146 : memref<5400xf32, #tpu.memory_space<vmem>>) dst(%dma_wait3A_144 : memref<5400xf32, #tpu.memory_space<vmem_shared>>)
    %dma_wait3A_147 = arith.constant 0 : i32
    %dma_wait3A_148 = tpu.memref_slice %arg25[%dma_wait3A_147] : memref<5408xf32, #tpu.memory_space<vmem>> -> memref<5400xf32, #tpu.memory_space<vmem>>
    %dma_wait3A_149 = tpu.memref_slice %arg29[%add3A_75] : memref<172800xf32, #tpu.memory_space<vmem_shared>> -> memref<5400xf32, #tpu.memory_space<vmem_shared>>
    %dma_wait3A_150 = tpu.memref_slice %arg29[%add3A_75] : memref<172800xf32, #tpu.memory_space<vmem_shared>> -> memref<5400xf32, #tpu.memory_space<vmem_shared>>
    %dma_wait3A_151 = arith.constant 0 : i32
    %dma_wait3A_152 = tpu.memref_slice %arg25[%dma_wait3A_151] : memref<5408xf32, #tpu.memory_space<vmem>> -> memref<5400xf32, #tpu.memory_space<vmem>>
    tpu.wait_dma2 semaphore(%arg32 : memref<!tpu.dma_semaphore, #tpu.memory_space<semaphore_mem>>) src(%dma_wait3A_152 : memref<5400xf32, #tpu.memory_space<vmem>>) dst(%dma_wait3A_150 : memref<5400xf32, #tpu.memory_space<vmem_shared>>)
    %dma_wait3A_153 = arith.constant 0 : i32
    %dma_wait3A_154 = tpu.memref_slice %arg25[%dma_wait3A_153] : memref<5408xf32, #tpu.memory_space<vmem>> -> memref<5400xf32, #tpu.memory_space<vmem>>
    %dma_wait3A_155 = tpu.memref_slice %arg29[%add3A_85] : memref<172800xf32, #tpu.memory_space<vmem_shared>> -> memref<5400xf32, #tpu.memory_space<vmem_shared>>
    %dma_wait3A_156 = tpu.memref_slice %arg29[%add3A_85] : memref<172800xf32, #tpu.memory_space<vmem_shared>> -> memref<5400xf32, #tpu.memory_space<vmem_shared>>
    %dma_wait3A_157 = arith.constant 0 : i32
    %dma_wait3A_158 = tpu.memref_slice %arg25[%dma_wait3A_157] : memref<5408xf32, #tpu.memory_space<vmem>> -> memref<5400xf32, #tpu.memory_space<vmem>>
    tpu.wait_dma2 semaphore(%arg32 : memref<!tpu.dma_semaphore, #tpu.memory_space<semaphore_mem>>) src(%dma_wait3A_158 : memref<5400xf32, #tpu.memory_space<vmem>>) dst(%dma_wait3A_156 : memref<5400xf32, #tpu.memory_space<vmem_shared>>)
    %dma_wait3A_159 = arith.constant 0 : i32
    %dma_wait3A_160 = tpu.memref_slice %arg25[%dma_wait3A_159] : memref<5408xf32, #tpu.memory_space<vmem>> -> memref<5400xf32, #tpu.memory_space<vmem>>
    %dma_wait3A_161 = tpu.memref_slice %arg30[%add3A_95] : memref<172800xf32, #tpu.memory_space<vmem_shared>> -> memref<5400xf32, #tpu.memory_space<vmem_shared>>
    %dma_wait3A_162 = tpu.memref_slice %arg30[%add3A_95] : memref<172800xf32, #tpu.memory_space<vmem_shared>> -> memref<5400xf32, #tpu.memory_space<vmem_shared>>
    %dma_wait3A_163 = arith.constant 0 : i32
    %dma_wait3A_164 = tpu.memref_slice %arg25[%dma_wait3A_163] : memref<5408xf32, #tpu.memory_space<vmem>> -> memref<5400xf32, #tpu.memory_space<vmem>>
    tpu.wait_dma2 semaphore(%arg32 : memref<!tpu.dma_semaphore, #tpu.memory_space<semaphore_mem>>) src(%dma_wait3A_164 : memref<5400xf32, #tpu.memory_space<vmem>>) dst(%dma_wait3A_162 : memref<5400xf32, #tpu.memory_space<vmem_shared>>)
    %dma_wait3A_165 = arith.constant 0 : i32
    %dma_wait3A_166 = tpu.memref_slice %arg25[%dma_wait3A_165] : memref<5408xf32, #tpu.memory_space<vmem>> -> memref<5400xf32, #tpu.memory_space<vmem>>
    %dma_wait3A_167 = tpu.memref_slice %arg30[%add3A_105] : memref<172800xf32, #tpu.memory_space<vmem_shared>> -> memref<5400xf32, #tpu.memory_space<vmem_shared>>
    %dma_wait3A_168 = tpu.memref_slice %arg30[%add3A_105] : memref<172800xf32, #tpu.memory_space<vmem_shared>> -> memref<5400xf32, #tpu.memory_space<vmem_shared>>
    %dma_wait3A_169 = arith.constant 0 : i32
    %dma_wait3A_170 = tpu.memref_slice %arg25[%dma_wait3A_169] : memref<5408xf32, #tpu.memory_space<vmem>> -> memref<5400xf32, #tpu.memory_space<vmem>>
    tpu.wait_dma2 semaphore(%arg32 : memref<!tpu.dma_semaphore, #tpu.memory_space<semaphore_mem>>) src(%dma_wait3A_170 : memref<5400xf32, #tpu.memory_space<vmem>>) dst(%dma_wait3A_168 : memref<5400xf32, #tpu.memory_space<vmem_shared>>)
    %barrier3A = arith.constant 0 : index
    tpu.barrier barrier_id(%barrier3A)
    %eq3A_171 = arith.constant 0 : i32
    "tpu.trace_stop"() : () -> ()
    "tpu.trace_start"() <{level = 10 : i32, message = "scatter_phase"}> : () -> ()
    %eq3A_172 = arith.cmpi eq, %arg0, %eq3A_171 : i32
    %convert_element_type3A_173 = arith.extui %eq3A_172 : i1 to i32
    %cond3A_174 = arith.constant 0 : i32
    %cond3A_175 = arith.cmpi ne, %convert_element_type3A_173, %cond3A_174 : i32
    scf.if %cond3A_175 {
      %dma_wait3A_242 = tpu.memref_slice %arg2[%mul3A_2] : memref<102400xf32, #tpu.memory_space<hbm>> -> memref<1280xf32, #tpu.memory_space<hbm>>
      %dma_wait3A_243 = tpu.memref_slice %arg2[%mul3A_2] : memref<102400xf32, #tpu.memory_space<hbm>> -> memref<1280xf32, #tpu.memory_space<hbm>>
      tpu.wait_dma2 semaphore(%arg31 : memref<!tpu.dma_semaphore, #tpu.memory_space<semaphore_mem>>) src(%dma_wait3A_243 : memref<1280xf32, #tpu.memory_space<hbm>>) dst(%arg15 : memref<1280xf32, #tpu.memory_space<vmem>>)
      %dma_wait3A_244 = tpu.memref_slice %arg2[%mul3A_2] : memref<102400xf32, #tpu.memory_space<hbm>> -> memref<1280xf32, #tpu.memory_space<hbm>>
      %dma_wait3A_245 = tpu.memref_slice %arg2[%mul3A_2] : memref<102400xf32, #tpu.memory_space<hbm>> -> memref<1280xf32, #tpu.memory_space<hbm>>
      tpu.wait_dma2 semaphore(%arg31 : memref<!tpu.dma_semaphore, #tpu.memory_space<semaphore_mem>>) src(%dma_wait3A_245 : memref<1280xf32, #tpu.memory_space<hbm>>) dst(%arg15 : memref<1280xf32, #tpu.memory_space<vmem>>)
      %dma_wait3A_246 = tpu.memref_slice %arg2[%mul3A_2] : memref<102400xf32, #tpu.memory_space<hbm>> -> memref<1280xf32, #tpu.memory_space<hbm>>
      %dma_wait3A_247 = tpu.memref_slice %arg2[%mul3A_2] : memref<102400xf32, #tpu.memory_space<hbm>> -> memref<1280xf32, #tpu.memory_space<hbm>>
      tpu.wait_dma2 semaphore(%arg31 : memref<!tpu.dma_semaphore, #tpu.memory_space<semaphore_mem>>) src(%dma_wait3A_247 : memref<1280xf32, #tpu.memory_space<hbm>>) dst(%arg15 : memref<1280xf32, #tpu.memory_space<vmem>>)
      %dma_wait3A_248 = tpu.memref_slice %arg2[%mul3A_2] : memref<102400xf32, #tpu.memory_space<hbm>> -> memref<1280xf32, #tpu.memory_space<hbm>>
      %dma_wait3A_249 = tpu.memref_slice %arg2[%mul3A_2] : memref<102400xf32, #tpu.memory_space<hbm>> -> memref<1280xf32, #tpu.memory_space<hbm>>
      tpu.wait_dma2 semaphore(%arg31 : memref<!tpu.dma_semaphore, #tpu.memory_space<semaphore_mem>>) src(%dma_wait3A_249 : memref<1280xf32, #tpu.memory_space<hbm>>) dst(%arg15 : memref<1280xf32, #tpu.memory_space<vmem>>)
    } else {
    }
    %ne3A_176 = arith.constant 0 : i32
    %ne3A_177 = arith.cmpi ne, %arg0, %ne3A_176 : i32
    %convert_element_type3A_178 = arith.extui %ne3A_177 : i1 to i32
    %cond3A_179 = arith.constant 0 : i32
    %cond3A_180 = arith.cmpi ne, %convert_element_type3A_178, %cond3A_179 : i32
    scf.if %cond3A_180 {
      %dma_wait3A_242 = tpu.memref_slice %arg2[%mul3A_2] : memref<102400xf32, #tpu.memory_space<hbm>> -> memref<1280xf32, #tpu.memory_space<hbm>>
      %dma_wait3A_243 = tpu.memref_slice %arg2[%mul3A_2] : memref<102400xf32, #tpu.memory_space<hbm>> -> memref<1280xf32, #tpu.memory_space<hbm>>
      tpu.wait_dma2 semaphore(%arg31 : memref<!tpu.dma_semaphore, #tpu.memory_space<semaphore_mem>>) src(%dma_wait3A_243 : memref<1280xf32, #tpu.memory_space<hbm>>) dst(%arg15 : memref<1280xf32, #tpu.memory_space<vmem>>)
      %dma_wait3A_244 = tpu.memref_slice %arg2[%mul3A_2] : memref<102400xf32, #tpu.memory_space<hbm>> -> memref<1280xf32, #tpu.memory_space<hbm>>
      %dma_wait3A_245 = tpu.memref_slice %arg2[%mul3A_2] : memref<102400xf32, #tpu.memory_space<hbm>> -> memref<1280xf32, #tpu.memory_space<hbm>>
      tpu.wait_dma2 semaphore(%arg31 : memref<!tpu.dma_semaphore, #tpu.memory_space<semaphore_mem>>) src(%dma_wait3A_245 : memref<1280xf32, #tpu.memory_space<hbm>>) dst(%arg15 : memref<1280xf32, #tpu.memory_space<vmem>>)
      %dma_wait3A_246 = tpu.memref_slice %arg2[%mul3A_2] : memref<102400xf32, #tpu.memory_space<hbm>> -> memref<1280xf32, #tpu.memory_space<hbm>>
      %dma_wait3A_247 = tpu.memref_slice %arg2[%mul3A_2] : memref<102400xf32, #tpu.memory_space<hbm>> -> memref<1280xf32, #tpu.memory_space<hbm>>
      tpu.wait_dma2 semaphore(%arg31 : memref<!tpu.dma_semaphore, #tpu.memory_space<semaphore_mem>>) src(%dma_wait3A_247 : memref<1280xf32, #tpu.memory_space<hbm>>) dst(%arg15 : memref<1280xf32, #tpu.memory_space<vmem>>)
    } else {
    }
    %eq3A_181 = arith.constant 0 : i32
    %eq3A_182 = arith.cmpi eq, %arg0, %eq3A_181 : i32
    %convert_element_type3A_183 = arith.extui %eq3A_182 : i1 to i32
    %cond3A_184 = arith.constant 0 : i32
    %cond3A_185 = arith.cmpi ne, %convert_element_type3A_183, %cond3A_184 : i32
    scf.if %cond3A_185 {
      %dma_start3A_242 = arith.constant 0 : i32
      %dma_start3A_243 = tpu.memref_slice %arg26[%dma_start3A_242] : memref<172800xf32, #tpu.memory_space<vmem_shared>> -> memref<172800xf32, #tpu.memory_space<vmem_shared>>
      tpu.enqueue_indirect_dma source(%arg15 : memref<1280xf32, #tpu.memory_space<vmem>>) target(%dma_start3A_243 : memref<172800xf32, #tpu.memory_space<vmem_shared>>) offsets(%arg13 : memref<1280xi32, #tpu.memory_space<vmem>>) semaphore(%arg31 : memref<!tpu.dma_semaphore, #tpu.memory_space<semaphore_mem>>) {add = true}
      %dma_start3A_244 = arith.constant 0 : i32
      %dma_start3A_245 = tpu.memref_slice %arg27[%dma_start3A_244] : memref<172800xf32, #tpu.memory_space<vmem_shared>> -> memref<172800xf32, #tpu.memory_space<vmem_shared>>
      tpu.enqueue_indirect_dma source(%arg16 : memref<1280xf32, #tpu.memory_space<vmem>>) target(%dma_start3A_245 : memref<172800xf32, #tpu.memory_space<vmem_shared>>) offsets(%arg13 : memref<1280xi32, #tpu.memory_space<vmem>>) semaphore(%arg31 : memref<!tpu.dma_semaphore, #tpu.memory_space<semaphore_mem>>) {add = true}
      %dma_start3A_246 = arith.constant 0 : i32
      %dma_start3A_247 = tpu.memref_slice %arg28[%dma_start3A_246] : memref<172800xf32, #tpu.memory_space<vmem_shared>> -> memref<172800xf32, #tpu.memory_space<vmem_shared>>
      tpu.enqueue_indirect_dma source(%arg17 : memref<1280xf32, #tpu.memory_space<vmem>>) target(%dma_start3A_247 : memref<172800xf32, #tpu.memory_space<vmem_shared>>) offsets(%arg13 : memref<1280xi32, #tpu.memory_space<vmem>>) semaphore(%arg31 : memref<!tpu.dma_semaphore, #tpu.memory_space<semaphore_mem>>) {add = true}
      %add3A_248 = arith.constant 1280 : i32
      %add3A_249 = arith.addi %mul3A_2, %add3A_248 : i32
      %dma_start3A_250 = tpu.memref_slice %arg2[%add3A_249] : memref<102400xf32, #tpu.memory_space<hbm>> -> memref<1280xf32, #tpu.memory_space<hbm>>
      %dma_start3A_251 = tpu.memref_slice %arg2[%add3A_249] : memref<102400xf32, #tpu.memory_space<hbm>> -> memref<1280xf32, #tpu.memory_space<hbm>>
      tpu.enqueue_dma source(%dma_start3A_251 : memref<1280xf32, #tpu.memory_space<hbm>>) target(%arg20 : memref<1280xf32, #tpu.memory_space<vmem>>) target_semaphore(%arg32 : memref<!tpu.dma_semaphore, #tpu.memory_space<semaphore_mem>>)
      %add3A_252 = arith.constant 1280 : i32
      %add3A_253 = arith.addi %mul3A_2, %add3A_252 : i32
      %dma_start3A_254 = tpu.memref_slice %arg3[%add3A_253] : memref<102400xf32, #tpu.memory_space<hbm>> -> memref<1280xf32, #tpu.memory_space<hbm>>
      %dma_start3A_255 = tpu.memref_slice %arg3[%add3A_253] : memref<102400xf32, #tpu.memory_space<hbm>> -> memref<1280xf32, #tpu.memory_space<hbm>>
      tpu.enqueue_dma source(%dma_start3A_255 : memref<1280xf32, #tpu.memory_space<hbm>>) target(%arg21 : memref<1280xf32, #tpu.memory_space<vmem>>) target_semaphore(%arg32 : memref<!tpu.dma_semaphore, #tpu.memory_space<semaphore_mem>>)
      %add3A_256 = arith.constant 1280 : i32
      %add3A_257 = arith.addi %mul3A_2, %add3A_256 : i32
      %dma_start3A_258 = tpu.memref_slice %arg4[%add3A_257] : memref<102400xf32, #tpu.memory_space<hbm>> -> memref<1280xf32, #tpu.memory_space<hbm>>
      %dma_start3A_259 = tpu.memref_slice %arg4[%add3A_257] : memref<102400xf32, #tpu.memory_space<hbm>> -> memref<1280xf32, #tpu.memory_space<hbm>>
      tpu.enqueue_dma source(%dma_start3A_259 : memref<1280xf32, #tpu.memory_space<hbm>>) target(%arg22 : memref<1280xf32, #tpu.memory_space<vmem>>) target_semaphore(%arg32 : memref<!tpu.dma_semaphore, #tpu.memory_space<semaphore_mem>>)
      %add3A_260 = arith.constant 1280 : i32
      %add3A_261 = arith.addi %mul3A_2, %add3A_260 : i32
      %dma_start3A_262 = tpu.memref_slice %arg7[%add3A_261] : memref<102400xi32, #tpu.memory_space<hbm>> -> memref<1280xi32, #tpu.memory_space<hbm>>
      %dma_start3A_263 = tpu.memref_slice %arg7[%add3A_261] : memref<102400xi32, #tpu.memory_space<hbm>> -> memref<1280xi32, #tpu.memory_space<hbm>>
      tpu.enqueue_dma source(%dma_start3A_263 : memref<1280xi32, #tpu.memory_space<hbm>>) target(%arg14 : memref<1280xi32, #tpu.memory_space<vmem>>) target_semaphore(%arg32 : memref<!tpu.dma_semaphore, #tpu.memory_space<semaphore_mem>>)
      %dma_wait3A_264 = tpu.memref_slice %arg2[%add3A_249] : memref<102400xf32, #tpu.memory_space<hbm>> -> memref<1280xf32, #tpu.memory_space<hbm>>
      %dma_wait3A_265 = tpu.memref_slice %arg2[%add3A_249] : memref<102400xf32, #tpu.memory_space<hbm>> -> memref<1280xf32, #tpu.memory_space<hbm>>
      tpu.wait_dma2 semaphore(%arg32 : memref<!tpu.dma_semaphore, #tpu.memory_space<semaphore_mem>>) src(%dma_wait3A_265 : memref<1280xf32, #tpu.memory_space<hbm>>) dst(%arg20 : memref<1280xf32, #tpu.memory_space<vmem>>)
      %dma_wait3A_266 = tpu.memref_slice %arg3[%add3A_253] : memref<102400xf32, #tpu.memory_space<hbm>> -> memref<1280xf32, #tpu.memory_space<hbm>>
      %dma_wait3A_267 = tpu.memref_slice %arg3[%add3A_253] : memref<102400xf32, #tpu.memory_space<hbm>> -> memref<1280xf32, #tpu.memory_space<hbm>>
      tpu.wait_dma2 semaphore(%arg32 : memref<!tpu.dma_semaphore, #tpu.memory_space<semaphore_mem>>) src(%dma_wait3A_267 : memref<1280xf32, #tpu.memory_space<hbm>>) dst(%arg21 : memref<1280xf32, #tpu.memory_space<vmem>>)
      %dma_wait3A_268 = tpu.memref_slice %arg4[%add3A_257] : memref<102400xf32, #tpu.memory_space<hbm>> -> memref<1280xf32, #tpu.memory_space<hbm>>
      %dma_wait3A_269 = tpu.memref_slice %arg4[%add3A_257] : memref<102400xf32, #tpu.memory_space<hbm>> -> memref<1280xf32, #tpu.memory_space<hbm>>
      tpu.wait_dma2 semaphore(%arg32 : memref<!tpu.dma_semaphore, #tpu.memory_space<semaphore_mem>>) src(%dma_wait3A_269 : memref<1280xf32, #tpu.memory_space<hbm>>) dst(%arg22 : memref<1280xf32, #tpu.memory_space<vmem>>)
      %dma_wait3A_270 = tpu.memref_slice %arg7[%add3A_261] : memref<102400xi32, #tpu.memory_space<hbm>> -> memref<1280xi32, #tpu.memory_space<hbm>>
      %dma_wait3A_271 = tpu.memref_slice %arg7[%add3A_261] : memref<102400xi32, #tpu.memory_space<hbm>> -> memref<1280xi32, #tpu.memory_space<hbm>>
      tpu.wait_dma2 semaphore(%arg32 : memref<!tpu.dma_semaphore, #tpu.memory_space<semaphore_mem>>) src(%dma_wait3A_271 : memref<1280xi32, #tpu.memory_space<hbm>>) dst(%arg14 : memref<1280xi32, #tpu.memory_space<vmem>>)
      %dma_wait3A_272 = arith.constant 0 : i32
      %dma_wait3A_273 = tpu.memref_slice %arg26[%dma_wait3A_272] : memref<172800xf32, #tpu.memory_space<vmem_shared>> -> memref<172800xf32, #tpu.memory_space<vmem_shared>>
      tpu.wait_indirect_dma semaphore(%arg31 : memref<!tpu.dma_semaphore, #tpu.memory_space<semaphore_mem>>) src(%arg15 : memref<1280xf32, #tpu.memory_space<vmem>>) dst(%dma_wait3A_273 : memref<172800xf32, #tpu.memory_space<vmem_shared>>)
      %dma_wait3A_274 = arith.constant 0 : i32
      %dma_wait3A_275 = tpu.memref_slice %arg27[%dma_wait3A_274] : memref<172800xf32, #tpu.memory_space<vmem_shared>> -> memref<172800xf32, #tpu.memory_space<vmem_shared>>
      tpu.wait_indirect_dma semaphore(%arg31 : memref<!tpu.dma_semaphore, #tpu.memory_space<semaphore_mem>>) src(%arg16 : memref<1280xf32, #tpu.memory_space<vmem>>) dst(%dma_wait3A_275 : memref<172800xf32, #tpu.memory_space<vmem_shared>>)
      %dma_wait3A_276 = arith.constant 0 : i32
      %dma_wait3A_277 = tpu.memref_slice %arg28[%dma_wait3A_276] : memref<172800xf32, #tpu.memory_space<vmem_shared>> -> memref<172800xf32, #tpu.memory_space<vmem_shared>>
      tpu.wait_indirect_dma semaphore(%arg31 : memref<!tpu.dma_semaphore, #tpu.memory_space<semaphore_mem>>) src(%arg17 : memref<1280xf32, #tpu.memory_space<vmem>>) dst(%dma_wait3A_277 : memref<172800xf32, #tpu.memory_space<vmem_shared>>)
    } else {
    }
    %ne3A_186 = arith.constant 0 : i32
    %ne3A_187 = arith.cmpi ne, %arg0, %ne3A_186 : i32
    %convert_element_type3A_188 = arith.extui %ne3A_187 : i1 to i32
    %cond3A_189 = arith.constant 0 : i32
    %cond3A_190 = arith.cmpi ne, %convert_element_type3A_188, %cond3A_189 : i32
    scf.if %cond3A_190 {
      %dma_start3A_242 = arith.constant 0 : i32
      %dma_start3A_243 = tpu.memref_slice %arg29[%dma_start3A_242] : memref<172800xf32, #tpu.memory_space<vmem_shared>> -> memref<172800xf32, #tpu.memory_space<vmem_shared>>
      tpu.enqueue_indirect_dma source(%arg18 : memref<1280xf32, #tpu.memory_space<vmem>>) target(%dma_start3A_243 : memref<172800xf32, #tpu.memory_space<vmem_shared>>) offsets(%arg13 : memref<1280xi32, #tpu.memory_space<vmem>>) semaphore(%arg31 : memref<!tpu.dma_semaphore, #tpu.memory_space<semaphore_mem>>) {add = true}
      %dma_start3A_244 = arith.constant 0 : i32
      %dma_start3A_245 = tpu.memref_slice %arg30[%dma_start3A_244] : memref<172800xf32, #tpu.memory_space<vmem_shared>> -> memref<172800xf32, #tpu.memory_space<vmem_shared>>
      tpu.enqueue_indirect_dma source(%arg19 : memref<1280xf32, #tpu.memory_space<vmem>>) target(%dma_start3A_245 : memref<172800xf32, #tpu.memory_space<vmem_shared>>) offsets(%arg13 : memref<1280xi32, #tpu.memory_space<vmem>>) semaphore(%arg31 : memref<!tpu.dma_semaphore, #tpu.memory_space<semaphore_mem>>) {add = true}
      %add3A_246 = arith.constant 1280 : i32
      %add3A_247 = arith.addi %mul3A_2, %add3A_246 : i32
      %dma_start3A_248 = tpu.memref_slice %arg5[%add3A_247] : memref<102400xf32, #tpu.memory_space<hbm>> -> memref<1280xf32, #tpu.memory_space<hbm>>
      %dma_start3A_249 = tpu.memref_slice %arg5[%add3A_247] : memref<102400xf32, #tpu.memory_space<hbm>> -> memref<1280xf32, #tpu.memory_space<hbm>>
      tpu.enqueue_dma source(%dma_start3A_249 : memref<1280xf32, #tpu.memory_space<hbm>>) target(%arg23 : memref<1280xf32, #tpu.memory_space<vmem>>) target_semaphore(%arg32 : memref<!tpu.dma_semaphore, #tpu.memory_space<semaphore_mem>>)
      %add3A_250 = arith.constant 1280 : i32
      %add3A_251 = arith.addi %mul3A_2, %add3A_250 : i32
      %dma_start3A_252 = tpu.memref_slice %arg6[%add3A_251] : memref<102400xf32, #tpu.memory_space<hbm>> -> memref<1280xf32, #tpu.memory_space<hbm>>
      %dma_start3A_253 = tpu.memref_slice %arg6[%add3A_251] : memref<102400xf32, #tpu.memory_space<hbm>> -> memref<1280xf32, #tpu.memory_space<hbm>>
      tpu.enqueue_dma source(%dma_start3A_253 : memref<1280xf32, #tpu.memory_space<hbm>>) target(%arg24 : memref<1280xf32, #tpu.memory_space<vmem>>) target_semaphore(%arg32 : memref<!tpu.dma_semaphore, #tpu.memory_space<semaphore_mem>>)
      %add3A_254 = arith.constant 1280 : i32
      %add3A_255 = arith.addi %mul3A_2, %add3A_254 : i32
      %dma_start3A_256 = tpu.memref_slice %arg7[%add3A_255] : memref<102400xi32, #tpu.memory_space<hbm>> -> memref<1280xi32, #tpu.memory_space<hbm>>
      %dma_start3A_257 = tpu.memref_slice %arg7[%add3A_255] : memref<102400xi32, #tpu.memory_space<hbm>> -> memref<1280xi32, #tpu.memory_space<hbm>>
      tpu.enqueue_dma source(%dma_start3A_257 : memref<1280xi32, #tpu.memory_space<hbm>>) target(%arg14 : memref<1280xi32, #tpu.memory_space<vmem>>) target_semaphore(%arg32 : memref<!tpu.dma_semaphore, #tpu.memory_space<semaphore_mem>>)
      %dma_wait3A_258 = tpu.memref_slice %arg5[%add3A_247] : memref<102400xf32, #tpu.memory_space<hbm>> -> memref<1280xf32, #tpu.memory_space<hbm>>
      %dma_wait3A_259 = tpu.memref_slice %arg5[%add3A_247] : memref<102400xf32, #tpu.memory_space<hbm>> -> memref<1280xf32, #tpu.memory_space<hbm>>
      tpu.wait_dma2 semaphore(%arg32 : memref<!tpu.dma_semaphore, #tpu.memory_space<semaphore_mem>>) src(%dma_wait3A_259 : memref<1280xf32, #tpu.memory_space<hbm>>) dst(%arg23 : memref<1280xf32, #tpu.memory_space<vmem>>)
      %dma_wait3A_260 = tpu.memref_slice %arg6[%add3A_251] : memref<102400xf32, #tpu.memory_space<hbm>> -> memref<1280xf32, #tpu.memory_space<hbm>>
      %dma_wait3A_261 = tpu.memref_slice %arg6[%add3A_251] : memref<102400xf32, #tpu.memory_space<hbm>> -> memref<1280xf32, #tpu.memory_space<hbm>>
      tpu.wait_dma2 semaphore(%arg32 : memref<!tpu.dma_semaphore, #tpu.memory_space<semaphore_mem>>) src(%dma_wait3A_261 : memref<1280xf32, #tpu.memory_space<hbm>>) dst(%arg24 : memref<1280xf32, #tpu.memory_space<vmem>>)
      %dma_wait3A_262 = tpu.memref_slice %arg7[%add3A_255] : memref<102400xi32, #tpu.memory_space<hbm>> -> memref<1280xi32, #tpu.memory_space<hbm>>
      %dma_wait3A_263 = tpu.memref_slice %arg7[%add3A_255] : memref<102400xi32, #tpu.memory_space<hbm>> -> memref<1280xi32, #tpu.memory_space<hbm>>
      tpu.wait_dma2 semaphore(%arg32 : memref<!tpu.dma_semaphore, #tpu.memory_space<semaphore_mem>>) src(%dma_wait3A_263 : memref<1280xi32, #tpu.memory_space<hbm>>) dst(%arg14 : memref<1280xi32, #tpu.memory_space<vmem>>)
      %dma_wait3A_264 = arith.constant 0 : i32
      %dma_wait3A_265 = tpu.memref_slice %arg29[%dma_wait3A_264] : memref<172800xf32, #tpu.memory_space<vmem_shared>> -> memref<172800xf32, #tpu.memory_space<vmem_shared>>
      tpu.wait_indirect_dma semaphore(%arg31 : memref<!tpu.dma_semaphore, #tpu.memory_space<semaphore_mem>>) src(%arg18 : memref<1280xf32, #tpu.memory_space<vmem>>) dst(%dma_wait3A_265 : memref<172800xf32, #tpu.memory_space<vmem_shared>>)
      %dma_wait3A_266 = arith.constant 0 : i32
      %dma_wait3A_267 = tpu.memref_slice %arg30[%dma_wait3A_266] : memref<172800xf32, #tpu.memory_space<vmem_shared>> -> memref<172800xf32, #tpu.memory_space<vmem_shared>>
      tpu.wait_indirect_dma semaphore(%arg31 : memref<!tpu.dma_semaphore, #tpu.memory_space<semaphore_mem>>) src(%arg19 : memref<1280xf32, #tpu.memory_space<vmem>>) dst(%dma_wait3A_267 : memref<172800xf32, #tpu.memory_space<vmem_shared>>)
    } else {
    }
    %eq3A_191 = arith.constant 0 : i32
    %eq3A_192 = arith.cmpi eq, %arg0, %eq3A_191 : i32
    %convert_element_type3A_193 = arith.extui %eq3A_192 : i1 to i32
    %cond3A_194 = arith.constant 0 : i32
    %cond3A_195 = arith.cmpi ne, %convert_element_type3A_193, %cond3A_194 : i32
    scf.if %cond3A_195 {
      %dma_start3A_242 = arith.constant 0 : i32
      %dma_start3A_243 = tpu.memref_slice %arg26[%dma_start3A_242] : memref<172800xf32, #tpu.memory_space<vmem_shared>> -> memref<172800xf32, #tpu.memory_space<vmem_shared>>
      tpu.enqueue_indirect_dma source(%arg20 : memref<1280xf32, #tpu.memory_space<vmem>>) target(%dma_start3A_243 : memref<172800xf32, #tpu.memory_space<vmem_shared>>) offsets(%arg14 : memref<1280xi32, #tpu.memory_space<vmem>>) semaphore(%arg31 : memref<!tpu.dma_semaphore, #tpu.memory_space<semaphore_mem>>) {add = true}
      %dma_start3A_244 = arith.constant 0 : i32
      %dma_start3A_245 = tpu.memref_slice %arg27[%dma_start3A_244] : memref<172800xf32, #tpu.memory_space<vmem_shared>> -> memref<172800xf32, #tpu.memory_space<vmem_shared>>
      tpu.enqueue_indirect_dma source(%arg21 : memref<1280xf32, #tpu.memory_space<vmem>>) target(%dma_start3A_245 : memref<172800xf32, #tpu.memory_space<vmem_shared>>) offsets(%arg14 : memref<1280xi32, #tpu.memory_space<vmem>>) semaphore(%arg31 : memref<!tpu.dma_semaphore, #tpu.memory_space<semaphore_mem>>) {add = true}
      %dma_start3A_246 = arith.constant 0 : i32
      %dma_start3A_247 = tpu.memref_slice %arg28[%dma_start3A_246] : memref<172800xf32, #tpu.memory_space<vmem_shared>> -> memref<172800xf32, #tpu.memory_space<vmem_shared>>
      tpu.enqueue_indirect_dma source(%arg22 : memref<1280xf32, #tpu.memory_space<vmem>>) target(%dma_start3A_247 : memref<172800xf32, #tpu.memory_space<vmem_shared>>) offsets(%arg14 : memref<1280xi32, #tpu.memory_space<vmem>>) semaphore(%arg31 : memref<!tpu.dma_semaphore, #tpu.memory_space<semaphore_mem>>) {add = true}
      %add3A_248 = arith.constant 2560 : i32
      %add3A_249 = arith.addi %mul3A_2, %add3A_248 : i32
      %dma_start3A_250 = tpu.memref_slice %arg2[%add3A_249] : memref<102400xf32, #tpu.memory_space<hbm>> -> memref<1280xf32, #tpu.memory_space<hbm>>
      %dma_start3A_251 = tpu.memref_slice %arg2[%add3A_249] : memref<102400xf32, #tpu.memory_space<hbm>> -> memref<1280xf32, #tpu.memory_space<hbm>>
      tpu.enqueue_dma source(%dma_start3A_251 : memref<1280xf32, #tpu.memory_space<hbm>>) target(%arg15 : memref<1280xf32, #tpu.memory_space<vmem>>) target_semaphore(%arg32 : memref<!tpu.dma_semaphore, #tpu.memory_space<semaphore_mem>>)
      %add3A_252 = arith.constant 2560 : i32
      %add3A_253 = arith.addi %mul3A_2, %add3A_252 : i32
      %dma_start3A_254 = tpu.memref_slice %arg3[%add3A_253] : memref<102400xf32, #tpu.memory_space<hbm>> -> memref<1280xf32, #tpu.memory_space<hbm>>
      %dma_start3A_255 = tpu.memref_slice %arg3[%add3A_253] : memref<102400xf32, #tpu.memory_space<hbm>> -> memref<1280xf32, #tpu.memory_space<hbm>>
      tpu.enqueue_dma source(%dma_start3A_255 : memref<1280xf32, #tpu.memory_space<hbm>>) target(%arg16 : memref<1280xf32, #tpu.memory_space<vmem>>) target_semaphore(%arg32 : memref<!tpu.dma_semaphore, #tpu.memory_space<semaphore_mem>>)
      %add3A_256 = arith.constant 2560 : i32
      %add3A_257 = arith.addi %mul3A_2, %add3A_256 : i32
      %dma_start3A_258 = tpu.memref_slice %arg4[%add3A_257] : memref<102400xf32, #tpu.memory_space<hbm>> -> memref<1280xf32, #tpu.memory_space<hbm>>
      %dma_start3A_259 = tpu.memref_slice %arg4[%add3A_257] : memref<102400xf32, #tpu.memory_space<hbm>> -> memref<1280xf32, #tpu.memory_space<hbm>>
      tpu.enqueue_dma source(%dma_start3A_259 : memref<1280xf32, #tpu.memory_space<hbm>>) target(%arg17 : memref<1280xf32, #tpu.memory_space<vmem>>) target_semaphore(%arg32 : memref<!tpu.dma_semaphore, #tpu.memory_space<semaphore_mem>>)
      %add3A_260 = arith.constant 2560 : i32
      %add3A_261 = arith.addi %mul3A_2, %add3A_260 : i32
      %dma_start3A_262 = tpu.memref_slice %arg7[%add3A_261] : memref<102400xi32, #tpu.memory_space<hbm>> -> memref<1280xi32, #tpu.memory_space<hbm>>
      %dma_start3A_263 = tpu.memref_slice %arg7[%add3A_261] : memref<102400xi32, #tpu.memory_space<hbm>> -> memref<1280xi32, #tpu.memory_space<hbm>>
      tpu.enqueue_dma source(%dma_start3A_263 : memref<1280xi32, #tpu.memory_space<hbm>>) target(%arg13 : memref<1280xi32, #tpu.memory_space<vmem>>) target_semaphore(%arg32 : memref<!tpu.dma_semaphore, #tpu.memory_space<semaphore_mem>>)
      %dma_wait3A_264 = tpu.memref_slice %arg2[%add3A_249] : memref<102400xf32, #tpu.memory_space<hbm>> -> memref<1280xf32, #tpu.memory_space<hbm>>
      %dma_wait3A_265 = tpu.memref_slice %arg2[%add3A_249] : memref<102400xf32, #tpu.memory_space<hbm>> -> memref<1280xf32, #tpu.memory_space<hbm>>
      tpu.wait_dma2 semaphore(%arg32 : memref<!tpu.dma_semaphore, #tpu.memory_space<semaphore_mem>>) src(%dma_wait3A_265 : memref<1280xf32, #tpu.memory_space<hbm>>) dst(%arg15 : memref<1280xf32, #tpu.memory_space<vmem>>)
      %dma_wait3A_266 = tpu.memref_slice %arg3[%add3A_253] : memref<102400xf32, #tpu.memory_space<hbm>> -> memref<1280xf32, #tpu.memory_space<hbm>>
      %dma_wait3A_267 = tpu.memref_slice %arg3[%add3A_253] : memref<102400xf32, #tpu.memory_space<hbm>> -> memref<1280xf32, #tpu.memory_space<hbm>>
      tpu.wait_dma2 semaphore(%arg32 : memref<!tpu.dma_semaphore, #tpu.memory_space<semaphore_mem>>) src(%dma_wait3A_267 : memref<1280xf32, #tpu.memory_space<hbm>>) dst(%arg16 : memref<1280xf32, #tpu.memory_space<vmem>>)
      %dma_wait3A_268 = tpu.memref_slice %arg4[%add3A_257] : memref<102400xf32, #tpu.memory_space<hbm>> -> memref<1280xf32, #tpu.memory_space<hbm>>
      %dma_wait3A_269 = tpu.memref_slice %arg4[%add3A_257] : memref<102400xf32, #tpu.memory_space<hbm>> -> memref<1280xf32, #tpu.memory_space<hbm>>
      tpu.wait_dma2 semaphore(%arg32 : memref<!tpu.dma_semaphore, #tpu.memory_space<semaphore_mem>>) src(%dma_wait3A_269 : memref<1280xf32, #tpu.memory_space<hbm>>) dst(%arg17 : memref<1280xf32, #tpu.memory_space<vmem>>)
      %dma_wait3A_270 = tpu.memref_slice %arg7[%add3A_261] : memref<102400xi32, #tpu.memory_space<hbm>> -> memref<1280xi32, #tpu.memory_space<hbm>>
      %dma_wait3A_271 = tpu.memref_slice %arg7[%add3A_261] : memref<102400xi32, #tpu.memory_space<hbm>> -> memref<1280xi32, #tpu.memory_space<hbm>>
      tpu.wait_dma2 semaphore(%arg32 : memref<!tpu.dma_semaphore, #tpu.memory_space<semaphore_mem>>) src(%dma_wait3A_271 : memref<1280xi32, #tpu.memory_space<hbm>>) dst(%arg13 : memref<1280xi32, #tpu.memory_space<vmem>>)
      %dma_wait3A_272 = arith.constant 0 : i32
      %dma_wait3A_273 = tpu.memref_slice %arg26[%dma_wait3A_272] : memref<172800xf32, #tpu.memory_space<vmem_shared>> -> memref<172800xf32, #tpu.memory_space<vmem_shared>>
      tpu.wait_indirect_dma semaphore(%arg31 : memref<!tpu.dma_semaphore, #tpu.memory_space<semaphore_mem>>) src(%arg20 : memref<1280xf32, #tpu.memory_space<vmem>>) dst(%dma_wait3A_273 : memref<172800xf32, #tpu.memory_space<vmem_shared>>)
      %dma_wait3A_274 = arith.constant 0 : i32
      %dma_wait3A_275 = tpu.memref_slice %arg27[%dma_wait3A_274] : memref<172800xf32, #tpu.memory_space<vmem_shared>> -> memref<172800xf32, #tpu.memory_space<vmem_shared>>
      tpu.wait_indirect_dma semaphore(%arg31 : memref<!tpu.dma_semaphore, #tpu.memory_space<semaphore_mem>>) src(%arg21 : memref<1280xf32, #tpu.memory_space<vmem>>) dst(%dma_wait3A_275 : memref<172800xf32, #tpu.memory_space<vmem_shared>>)
      %dma_wait3A_276 = arith.constant 0 : i32
      %dma_wait3A_277 = tpu.memref_slice %arg28[%dma_wait3A_276] : memref<172800xf32, #tpu.memory_space<vmem_shared>> -> memref<172800xf32, #tpu.memory_space<vmem_shared>>
      tpu.wait_indirect_dma semaphore(%arg31 : memref<!tpu.dma_semaphore, #tpu.memory_space<semaphore_mem>>) src(%arg22 : memref<1280xf32, #tpu.memory_space<vmem>>) dst(%dma_wait3A_277 : memref<172800xf32, #tpu.memory_space<vmem_shared>>)
    } else {
    }
    %ne3A_196 = arith.constant 0 : i32
    %ne3A_197 = arith.cmpi ne, %arg0, %ne3A_196 : i32
    %convert_element_type3A_198 = arith.extui %ne3A_197 : i1 to i32
    %cond3A_199 = arith.constant 0 : i32
    %cond3A_200 = arith.cmpi ne, %convert_element_type3A_198, %cond3A_199 : i32
    scf.if %cond3A_200 {
      %dma_start3A_242 = arith.constant 0 : i32
      %dma_start3A_243 = tpu.memref_slice %arg29[%dma_start3A_242] : memref<172800xf32, #tpu.memory_space<vmem_shared>> -> memref<172800xf32, #tpu.memory_space<vmem_shared>>
      tpu.enqueue_indirect_dma source(%arg23 : memref<1280xf32, #tpu.memory_space<vmem>>) target(%dma_start3A_243 : memref<172800xf32, #tpu.memory_space<vmem_shared>>) offsets(%arg14 : memref<1280xi32, #tpu.memory_space<vmem>>) semaphore(%arg31 : memref<!tpu.dma_semaphore, #tpu.memory_space<semaphore_mem>>) {add = true}
      %dma_start3A_244 = arith.constant 0 : i32
      %dma_start3A_245 = tpu.memref_slice %arg30[%dma_start3A_244] : memref<172800xf32, #tpu.memory_space<vmem_shared>> -> memref<172800xf32, #tpu.memory_space<vmem_shared>>
      tpu.enqueue_indirect_dma source(%arg24 : memref<1280xf32, #tpu.memory_space<vmem>>) target(%dma_start3A_245 : memref<172800xf32, #tpu.memory_space<vmem_shared>>) offsets(%arg14 : memref<1280xi32, #tpu.memory_space<vmem>>) semaphore(%arg31 : memref<!tpu.dma_semaphore, #tpu.memory_space<semaphore_mem>>) {add = true}
      %add3A_246 = arith.constant 2560 : i32
      %add3A_247 = arith.addi %mul3A_2, %add3A_246 : i32
      %dma_start3A_248 = tpu.memref_slice %arg5[%add3A_247] : memref<102400xf32, #tpu.memory_space<hbm>> -> memref<1280xf32, #tpu.memory_space<hbm>>
      %dma_start3A_249 = tpu.memref_slice %arg5[%add3A_247] : memref<102400xf32, #tpu.memory_space<hbm>> -> memref<1280xf32, #tpu.memory_space<hbm>>
      tpu.enqueue_dma source(%dma_start3A_249 : memref<1280xf32, #tpu.memory_space<hbm>>) target(%arg18 : memref<1280xf32, #tpu.memory_space<vmem>>) target_semaphore(%arg32 : memref<!tpu.dma_semaphore, #tpu.memory_space<semaphore_mem>>)
      %add3A_250 = arith.constant 2560 : i32
      %add3A_251 = arith.addi %mul3A_2, %add3A_250 : i32
      %dma_start3A_252 = tpu.memref_slice %arg6[%add3A_251] : memref<102400xf32, #tpu.memory_space<hbm>> -> memref<1280xf32, #tpu.memory_space<hbm>>
      %dma_start3A_253 = tpu.memref_slice %arg6[%add3A_251] : memref<102400xf32, #tpu.memory_space<hbm>> -> memref<1280xf32, #tpu.memory_space<hbm>>
      tpu.enqueue_dma source(%dma_start3A_253 : memref<1280xf32, #tpu.memory_space<hbm>>) target(%arg19 : memref<1280xf32, #tpu.memory_space<vmem>>) target_semaphore(%arg32 : memref<!tpu.dma_semaphore, #tpu.memory_space<semaphore_mem>>)
      %add3A_254 = arith.constant 2560 : i32
      %add3A_255 = arith.addi %mul3A_2, %add3A_254 : i32
      %dma_start3A_256 = tpu.memref_slice %arg7[%add3A_255] : memref<102400xi32, #tpu.memory_space<hbm>> -> memref<1280xi32, #tpu.memory_space<hbm>>
      %dma_start3A_257 = tpu.memref_slice %arg7[%add3A_255] : memref<102400xi32, #tpu.memory_space<hbm>> -> memref<1280xi32, #tpu.memory_space<hbm>>
      tpu.enqueue_dma source(%dma_start3A_257 : memref<1280xi32, #tpu.memory_space<hbm>>) target(%arg13 : memref<1280xi32, #tpu.memory_space<vmem>>) target_semaphore(%arg32 : memref<!tpu.dma_semaphore, #tpu.memory_space<semaphore_mem>>)
      %dma_wait3A_258 = tpu.memref_slice %arg5[%add3A_247] : memref<102400xf32, #tpu.memory_space<hbm>> -> memref<1280xf32, #tpu.memory_space<hbm>>
      %dma_wait3A_259 = tpu.memref_slice %arg5[%add3A_247] : memref<102400xf32, #tpu.memory_space<hbm>> -> memref<1280xf32, #tpu.memory_space<hbm>>
      tpu.wait_dma2 semaphore(%arg32 : memref<!tpu.dma_semaphore, #tpu.memory_space<semaphore_mem>>) src(%dma_wait3A_259 : memref<1280xf32, #tpu.memory_space<hbm>>) dst(%arg18 : memref<1280xf32, #tpu.memory_space<vmem>>)
      %dma_wait3A_260 = tpu.memref_slice %arg6[%add3A_251] : memref<102400xf32, #tpu.memory_space<hbm>> -> memref<1280xf32, #tpu.memory_space<hbm>>
      %dma_wait3A_261 = tpu.memref_slice %arg6[%add3A_251] : memref<102400xf32, #tpu.memory_space<hbm>> -> memref<1280xf32, #tpu.memory_space<hbm>>
      tpu.wait_dma2 semaphore(%arg32 : memref<!tpu.dma_semaphore, #tpu.memory_space<semaphore_mem>>) src(%dma_wait3A_261 : memref<1280xf32, #tpu.memory_space<hbm>>) dst(%arg19 : memref<1280xf32, #tpu.memory_space<vmem>>)
      %dma_wait3A_262 = tpu.memref_slice %arg7[%add3A_255] : memref<102400xi32, #tpu.memory_space<hbm>> -> memref<1280xi32, #tpu.memory_space<hbm>>
      %dma_wait3A_263 = tpu.memref_slice %arg7[%add3A_255] : memref<102400xi32, #tpu.memory_space<hbm>> -> memref<1280xi32, #tpu.memory_space<hbm>>
      tpu.wait_dma2 semaphore(%arg32 : memref<!tpu.dma_semaphore, #tpu.memory_space<semaphore_mem>>) src(%dma_wait3A_263 : memref<1280xi32, #tpu.memory_space<hbm>>) dst(%arg13 : memref<1280xi32, #tpu.memory_space<vmem>>)
      %dma_wait3A_264 = arith.constant 0 : i32
      %dma_wait3A_265 = tpu.memref_slice %arg29[%dma_wait3A_264] : memref<172800xf32, #tpu.memory_space<vmem_shared>> -> memref<172800xf32, #tpu.memory_space<vmem_shared>>
      tpu.wait_indirect_dma semaphore(%arg31 : memref<!tpu.dma_semaphore, #tpu.memory_space<semaphore_mem>>) src(%arg23 : memref<1280xf32, #tpu.memory_space<vmem>>) dst(%dma_wait3A_265 : memref<172800xf32, #tpu.memory_space<vmem_shared>>)
      %dma_wait3A_266 = arith.constant 0 : i32
      %dma_wait3A_267 = tpu.memref_slice %arg30[%dma_wait3A_266] : memref<172800xf32, #tpu.memory_space<vmem_shared>> -> memref<172800xf32, #tpu.memory_space<vmem_shared>>
      tpu.wait_indirect_dma semaphore(%arg31 : memref<!tpu.dma_semaphore, #tpu.memory_space<semaphore_mem>>) src(%arg24 : memref<1280xf32, #tpu.memory_space<vmem>>) dst(%dma_wait3A_267 : memref<172800xf32, #tpu.memory_space<vmem_shared>>)
    } else {
    }
    %eq3A_201 = arith.constant 0 : i32
    %eq3A_202 = arith.cmpi eq, %arg0, %eq3A_201 : i32
    %convert_element_type3A_203 = arith.extui %eq3A_202 : i1 to i32
    %cond3A_204 = arith.constant 0 : i32
    %cond3A_205 = arith.cmpi ne, %convert_element_type3A_203, %cond3A_204 : i32
    scf.if %cond3A_205 {
      %dma_start3A_242 = arith.constant 0 : i32
      %dma_start3A_243 = tpu.memref_slice %arg26[%dma_start3A_242] : memref<172800xf32, #tpu.memory_space<vmem_shared>> -> memref<172800xf32, #tpu.memory_space<vmem_shared>>
      tpu.enqueue_indirect_dma source(%arg15 : memref<1280xf32, #tpu.memory_space<vmem>>) target(%dma_start3A_243 : memref<172800xf32, #tpu.memory_space<vmem_shared>>) offsets(%arg13 : memref<1280xi32, #tpu.memory_space<vmem>>) semaphore(%arg31 : memref<!tpu.dma_semaphore, #tpu.memory_space<semaphore_mem>>) {add = true}
      %dma_start3A_244 = arith.constant 0 : i32
      %dma_start3A_245 = tpu.memref_slice %arg27[%dma_start3A_244] : memref<172800xf32, #tpu.memory_space<vmem_shared>> -> memref<172800xf32, #tpu.memory_space<vmem_shared>>
      tpu.enqueue_indirect_dma source(%arg16 : memref<1280xf32, #tpu.memory_space<vmem>>) target(%dma_start3A_245 : memref<172800xf32, #tpu.memory_space<vmem_shared>>) offsets(%arg13 : memref<1280xi32, #tpu.memory_space<vmem>>) semaphore(%arg31 : memref<!tpu.dma_semaphore, #tpu.memory_space<semaphore_mem>>) {add = true}
      %dma_start3A_246 = arith.constant 0 : i32
      %dma_start3A_247 = tpu.memref_slice %arg28[%dma_start3A_246] : memref<172800xf32, #tpu.memory_space<vmem_shared>> -> memref<172800xf32, #tpu.memory_space<vmem_shared>>
      tpu.enqueue_indirect_dma source(%arg17 : memref<1280xf32, #tpu.memory_space<vmem>>) target(%dma_start3A_247 : memref<172800xf32, #tpu.memory_space<vmem_shared>>) offsets(%arg13 : memref<1280xi32, #tpu.memory_space<vmem>>) semaphore(%arg31 : memref<!tpu.dma_semaphore, #tpu.memory_space<semaphore_mem>>) {add = true}
      %add3A_248 = arith.constant 3840 : i32
      %add3A_249 = arith.addi %mul3A_2, %add3A_248 : i32
      %dma_start3A_250 = tpu.memref_slice %arg2[%add3A_249] : memref<102400xf32, #tpu.memory_space<hbm>> -> memref<1280xf32, #tpu.memory_space<hbm>>
      %dma_start3A_251 = tpu.memref_slice %arg2[%add3A_249] : memref<102400xf32, #tpu.memory_space<hbm>> -> memref<1280xf32, #tpu.memory_space<hbm>>
      tpu.enqueue_dma source(%dma_start3A_251 : memref<1280xf32, #tpu.memory_space<hbm>>) target(%arg20 : memref<1280xf32, #tpu.memory_space<vmem>>) target_semaphore(%arg32 : memref<!tpu.dma_semaphore, #tpu.memory_space<semaphore_mem>>)
      %add3A_252 = arith.constant 3840 : i32
      %add3A_253 = arith.addi %mul3A_2, %add3A_252 : i32
      %dma_start3A_254 = tpu.memref_slice %arg3[%add3A_253] : memref<102400xf32, #tpu.memory_space<hbm>> -> memref<1280xf32, #tpu.memory_space<hbm>>
      %dma_start3A_255 = tpu.memref_slice %arg3[%add3A_253] : memref<102400xf32, #tpu.memory_space<hbm>> -> memref<1280xf32, #tpu.memory_space<hbm>>
      tpu.enqueue_dma source(%dma_start3A_255 : memref<1280xf32, #tpu.memory_space<hbm>>) target(%arg21 : memref<1280xf32, #tpu.memory_space<vmem>>) target_semaphore(%arg32 : memref<!tpu.dma_semaphore, #tpu.memory_space<semaphore_mem>>)
      %add3A_256 = arith.constant 3840 : i32
      %add3A_257 = arith.addi %mul3A_2, %add3A_256 : i32
      %dma_start3A_258 = tpu.memref_slice %arg4[%add3A_257] : memref<102400xf32, #tpu.memory_space<hbm>> -> memref<1280xf32, #tpu.memory_space<hbm>>
      %dma_start3A_259 = tpu.memref_slice %arg4[%add3A_257] : memref<102400xf32, #tpu.memory_space<hbm>> -> memref<1280xf32, #tpu.memory_space<hbm>>
      tpu.enqueue_dma source(%dma_start3A_259 : memref<1280xf32, #tpu.memory_space<hbm>>) target(%arg22 : memref<1280xf32, #tpu.memory_space<vmem>>) target_semaphore(%arg32 : memref<!tpu.dma_semaphore, #tpu.memory_space<semaphore_mem>>)
      %add3A_260 = arith.constant 3840 : i32
      %add3A_261 = arith.addi %mul3A_2, %add3A_260 : i32
      %dma_start3A_262 = tpu.memref_slice %arg7[%add3A_261] : memref<102400xi32, #tpu.memory_space<hbm>> -> memref<1280xi32, #tpu.memory_space<hbm>>
      %dma_start3A_263 = tpu.memref_slice %arg7[%add3A_261] : memref<102400xi32, #tpu.memory_space<hbm>> -> memref<1280xi32, #tpu.memory_space<hbm>>
      tpu.enqueue_dma source(%dma_start3A_263 : memref<1280xi32, #tpu.memory_space<hbm>>) target(%arg14 : memref<1280xi32, #tpu.memory_space<vmem>>) target_semaphore(%arg32 : memref<!tpu.dma_semaphore, #tpu.memory_space<semaphore_mem>>)
      %dma_wait3A_264 = tpu.memref_slice %arg2[%add3A_249] : memref<102400xf32, #tpu.memory_space<hbm>> -> memref<1280xf32, #tpu.memory_space<hbm>>
      %dma_wait3A_265 = tpu.memref_slice %arg2[%add3A_249] : memref<102400xf32, #tpu.memory_space<hbm>> -> memref<1280xf32, #tpu.memory_space<hbm>>
      tpu.wait_dma2 semaphore(%arg32 : memref<!tpu.dma_semaphore, #tpu.memory_space<semaphore_mem>>) src(%dma_wait3A_265 : memref<1280xf32, #tpu.memory_space<hbm>>) dst(%arg20 : memref<1280xf32, #tpu.memory_space<vmem>>)
      %dma_wait3A_266 = tpu.memref_slice %arg3[%add3A_253] : memref<102400xf32, #tpu.memory_space<hbm>> -> memref<1280xf32, #tpu.memory_space<hbm>>
      %dma_wait3A_267 = tpu.memref_slice %arg3[%add3A_253] : memref<102400xf32, #tpu.memory_space<hbm>> -> memref<1280xf32, #tpu.memory_space<hbm>>
      tpu.wait_dma2 semaphore(%arg32 : memref<!tpu.dma_semaphore, #tpu.memory_space<semaphore_mem>>) src(%dma_wait3A_267 : memref<1280xf32, #tpu.memory_space<hbm>>) dst(%arg21 : memref<1280xf32, #tpu.memory_space<vmem>>)
      %dma_wait3A_268 = tpu.memref_slice %arg4[%add3A_257] : memref<102400xf32, #tpu.memory_space<hbm>> -> memref<1280xf32, #tpu.memory_space<hbm>>
      %dma_wait3A_269 = tpu.memref_slice %arg4[%add3A_257] : memref<102400xf32, #tpu.memory_space<hbm>> -> memref<1280xf32, #tpu.memory_space<hbm>>
      tpu.wait_dma2 semaphore(%arg32 : memref<!tpu.dma_semaphore, #tpu.memory_space<semaphore_mem>>) src(%dma_wait3A_269 : memref<1280xf32, #tpu.memory_space<hbm>>) dst(%arg22 : memref<1280xf32, #tpu.memory_space<vmem>>)
      %dma_wait3A_270 = tpu.memref_slice %arg7[%add3A_261] : memref<102400xi32, #tpu.memory_space<hbm>> -> memref<1280xi32, #tpu.memory_space<hbm>>
      %dma_wait3A_271 = tpu.memref_slice %arg7[%add3A_261] : memref<102400xi32, #tpu.memory_space<hbm>> -> memref<1280xi32, #tpu.memory_space<hbm>>
      tpu.wait_dma2 semaphore(%arg32 : memref<!tpu.dma_semaphore, #tpu.memory_space<semaphore_mem>>) src(%dma_wait3A_271 : memref<1280xi32, #tpu.memory_space<hbm>>) dst(%arg14 : memref<1280xi32, #tpu.memory_space<vmem>>)
      %dma_wait3A_272 = arith.constant 0 : i32
      %dma_wait3A_273 = tpu.memref_slice %arg26[%dma_wait3A_272] : memref<172800xf32, #tpu.memory_space<vmem_shared>> -> memref<172800xf32, #tpu.memory_space<vmem_shared>>
      tpu.wait_indirect_dma semaphore(%arg31 : memref<!tpu.dma_semaphore, #tpu.memory_space<semaphore_mem>>) src(%arg15 : memref<1280xf32, #tpu.memory_space<vmem>>) dst(%dma_wait3A_273 : memref<172800xf32, #tpu.memory_space<vmem_shared>>)
      %dma_wait3A_274 = arith.constant 0 : i32
      %dma_wait3A_275 = tpu.memref_slice %arg27[%dma_wait3A_274] : memref<172800xf32, #tpu.memory_space<vmem_shared>> -> memref<172800xf32, #tpu.memory_space<vmem_shared>>
      tpu.wait_indirect_dma semaphore(%arg31 : memref<!tpu.dma_semaphore, #tpu.memory_space<semaphore_mem>>) src(%arg16 : memref<1280xf32, #tpu.memory_space<vmem>>) dst(%dma_wait3A_275 : memref<172800xf32, #tpu.memory_space<vmem_shared>>)
      %dma_wait3A_276 = arith.constant 0 : i32
      %dma_wait3A_277 = tpu.memref_slice %arg28[%dma_wait3A_276] : memref<172800xf32, #tpu.memory_space<vmem_shared>> -> memref<172800xf32, #tpu.memory_space<vmem_shared>>
      tpu.wait_indirect_dma semaphore(%arg31 : memref<!tpu.dma_semaphore, #tpu.memory_space<semaphore_mem>>) src(%arg17 : memref<1280xf32, #tpu.memory_space<vmem>>) dst(%dma_wait3A_277 : memref<172800xf32, #tpu.memory_space<vmem_shared>>)
    } else {
    }
    %ne3A_206 = arith.constant 0 : i32
    %ne3A_207 = arith.cmpi ne, %arg0, %ne3A_206 : i32
    %convert_element_type3A_208 = arith.extui %ne3A_207 : i1 to i32
    %cond3A_209 = arith.constant 0 : i32
    %cond3A_210 = arith.cmpi ne, %convert_element_type3A_208, %cond3A_209 : i32
    scf.if %cond3A_210 {
      %dma_start3A_242 = arith.constant 0 : i32
      %dma_start3A_243 = tpu.memref_slice %arg29[%dma_start3A_242] : memref<172800xf32, #tpu.memory_space<vmem_shared>> -> memref<172800xf32, #tpu.memory_space<vmem_shared>>
      tpu.enqueue_indirect_dma source(%arg18 : memref<1280xf32, #tpu.memory_space<vmem>>) target(%dma_start3A_243 : memref<172800xf32, #tpu.memory_space<vmem_shared>>) offsets(%arg13 : memref<1280xi32, #tpu.memory_space<vmem>>) semaphore(%arg31 : memref<!tpu.dma_semaphore, #tpu.memory_space<semaphore_mem>>) {add = true}
      %dma_start3A_244 = arith.constant 0 : i32
      %dma_start3A_245 = tpu.memref_slice %arg30[%dma_start3A_244] : memref<172800xf32, #tpu.memory_space<vmem_shared>> -> memref<172800xf32, #tpu.memory_space<vmem_shared>>
      tpu.enqueue_indirect_dma source(%arg19 : memref<1280xf32, #tpu.memory_space<vmem>>) target(%dma_start3A_245 : memref<172800xf32, #tpu.memory_space<vmem_shared>>) offsets(%arg13 : memref<1280xi32, #tpu.memory_space<vmem>>) semaphore(%arg31 : memref<!tpu.dma_semaphore, #tpu.memory_space<semaphore_mem>>) {add = true}
      %add3A_246 = arith.constant 3840 : i32
      %add3A_247 = arith.addi %mul3A_2, %add3A_246 : i32
      %dma_start3A_248 = tpu.memref_slice %arg5[%add3A_247] : memref<102400xf32, #tpu.memory_space<hbm>> -> memref<1280xf32, #tpu.memory_space<hbm>>
      %dma_start3A_249 = tpu.memref_slice %arg5[%add3A_247] : memref<102400xf32, #tpu.memory_space<hbm>> -> memref<1280xf32, #tpu.memory_space<hbm>>
      tpu.enqueue_dma source(%dma_start3A_249 : memref<1280xf32, #tpu.memory_space<hbm>>) target(%arg23 : memref<1280xf32, #tpu.memory_space<vmem>>) target_semaphore(%arg32 : memref<!tpu.dma_semaphore, #tpu.memory_space<semaphore_mem>>)
      %add3A_250 = arith.constant 3840 : i32
      %add3A_251 = arith.addi %mul3A_2, %add3A_250 : i32
      %dma_start3A_252 = tpu.memref_slice %arg6[%add3A_251] : memref<102400xf32, #tpu.memory_space<hbm>> -> memref<1280xf32, #tpu.memory_space<hbm>>
      %dma_start3A_253 = tpu.memref_slice %arg6[%add3A_251] : memref<102400xf32, #tpu.memory_space<hbm>> -> memref<1280xf32, #tpu.memory_space<hbm>>
      tpu.enqueue_dma source(%dma_start3A_253 : memref<1280xf32, #tpu.memory_space<hbm>>) target(%arg24 : memref<1280xf32, #tpu.memory_space<vmem>>) target_semaphore(%arg32 : memref<!tpu.dma_semaphore, #tpu.memory_space<semaphore_mem>>)
      %add3A_254 = arith.constant 3840 : i32
      %add3A_255 = arith.addi %mul3A_2, %add3A_254 : i32
      %dma_start3A_256 = tpu.memref_slice %arg7[%add3A_255] : memref<102400xi32, #tpu.memory_space<hbm>> -> memref<1280xi32, #tpu.memory_space<hbm>>
      %dma_start3A_257 = tpu.memref_slice %arg7[%add3A_255] : memref<102400xi32, #tpu.memory_space<hbm>> -> memref<1280xi32, #tpu.memory_space<hbm>>
      tpu.enqueue_dma source(%dma_start3A_257 : memref<1280xi32, #tpu.memory_space<hbm>>) target(%arg14 : memref<1280xi32, #tpu.memory_space<vmem>>) target_semaphore(%arg32 : memref<!tpu.dma_semaphore, #tpu.memory_space<semaphore_mem>>)
      %dma_wait3A_258 = tpu.memref_slice %arg5[%add3A_247] : memref<102400xf32, #tpu.memory_space<hbm>> -> memref<1280xf32, #tpu.memory_space<hbm>>
      %dma_wait3A_259 = tpu.memref_slice %arg5[%add3A_247] : memref<102400xf32, #tpu.memory_space<hbm>> -> memref<1280xf32, #tpu.memory_space<hbm>>
      tpu.wait_dma2 semaphore(%arg32 : memref<!tpu.dma_semaphore, #tpu.memory_space<semaphore_mem>>) src(%dma_wait3A_259 : memref<1280xf32, #tpu.memory_space<hbm>>) dst(%arg23 : memref<1280xf32, #tpu.memory_space<vmem>>)
      %dma_wait3A_260 = tpu.memref_slice %arg6[%add3A_251] : memref<102400xf32, #tpu.memory_space<hbm>> -> memref<1280xf32, #tpu.memory_space<hbm>>
      %dma_wait3A_261 = tpu.memref_slice %arg6[%add3A_251] : memref<102400xf32, #tpu.memory_space<hbm>> -> memref<1280xf32, #tpu.memory_space<hbm>>
      tpu.wait_dma2 semaphore(%arg32 : memref<!tpu.dma_semaphore, #tpu.memory_space<semaphore_mem>>) src(%dma_wait3A_261 : memref<1280xf32, #tpu.memory_space<hbm>>) dst(%arg24 : memref<1280xf32, #tpu.memory_space<vmem>>)
      %dma_wait3A_262 = tpu.memref_slice %arg7[%add3A_255] : memref<102400xi32, #tpu.memory_space<hbm>> -> memref<1280xi32, #tpu.memory_space<hbm>>
      %dma_wait3A_263 = tpu.memref_slice %arg7[%add3A_255] : memref<102400xi32, #tpu.memory_space<hbm>> -> memref<1280xi32, #tpu.memory_space<hbm>>
      tpu.wait_dma2 semaphore(%arg32 : memref<!tpu.dma_semaphore, #tpu.memory_space<semaphore_mem>>) src(%dma_wait3A_263 : memref<1280xi32, #tpu.memory_space<hbm>>) dst(%arg14 : memref<1280xi32, #tpu.memory_space<vmem>>)
      %dma_wait3A_264 = arith.constant 0 : i32
      %dma_wait3A_265 = tpu.memref_slice %arg29[%dma_wait3A_264] : memref<172800xf32, #tpu.memory_space<vmem_shared>> -> memref<172800xf32, #tpu.memory_space<vmem_shared>>
      tpu.wait_indirect_dma semaphore(%arg31 : memref<!tpu.dma_semaphore, #tpu.memory_space<semaphore_mem>>) src(%arg18 : memref<1280xf32, #tpu.memory_space<vmem>>) dst(%dma_wait3A_265 : memref<172800xf32, #tpu.memory_space<vmem_shared>>)
      %dma_wait3A_266 = arith.constant 0 : i32
      %dma_wait3A_267 = tpu.memref_slice %arg30[%dma_wait3A_266] : memref<172800xf32, #tpu.memory_space<vmem_shared>> -> memref<172800xf32, #tpu.memory_space<vmem_shared>>
      tpu.wait_indirect_dma semaphore(%arg31 : memref<!tpu.dma_semaphore, #tpu.memory_space<semaphore_mem>>) src(%arg19 : memref<1280xf32, #tpu.memory_space<vmem>>) dst(%dma_wait3A_267 : memref<172800xf32, #tpu.memory_space<vmem_shared>>)
    } else {
    }
    %eq3A_211 = arith.constant 0 : i32
    %eq3A_212 = arith.cmpi eq, %arg0, %eq3A_211 : i32
    %convert_element_type3A_213 = arith.extui %eq3A_212 : i1 to i32
    %cond3A_214 = arith.constant 0 : i32
    %cond3A_215 = arith.cmpi ne, %convert_element_type3A_213, %cond3A_214 : i32
    scf.if %cond3A_215 {
      %dma_start3A_242 = arith.constant 0 : i32
      %dma_start3A_243 = tpu.memref_slice %arg26[%dma_start3A_242] : memref<172800xf32, #tpu.memory_space<vmem_shared>> -> memref<172800xf32, #tpu.memory_space<vmem_shared>>
      tpu.enqueue_indirect_dma source(%arg20 : memref<1280xf32, #tpu.memory_space<vmem>>) target(%dma_start3A_243 : memref<172800xf32, #tpu.memory_space<vmem_shared>>) offsets(%arg14 : memref<1280xi32, #tpu.memory_space<vmem>>) semaphore(%arg31 : memref<!tpu.dma_semaphore, #tpu.memory_space<semaphore_mem>>) {add = true}
      %dma_start3A_244 = arith.constant 0 : i32
      %dma_start3A_245 = tpu.memref_slice %arg27[%dma_start3A_244] : memref<172800xf32, #tpu.memory_space<vmem_shared>> -> memref<172800xf32, #tpu.memory_space<vmem_shared>>
      tpu.enqueue_indirect_dma source(%arg21 : memref<1280xf32, #tpu.memory_space<vmem>>) target(%dma_start3A_245 : memref<172800xf32, #tpu.memory_space<vmem_shared>>) offsets(%arg14 : memref<1280xi32, #tpu.memory_space<vmem>>) semaphore(%arg31 : memref<!tpu.dma_semaphore, #tpu.memory_space<semaphore_mem>>) {add = true}
      %dma_start3A_246 = arith.constant 0 : i32
      %dma_start3A_247 = tpu.memref_slice %arg28[%dma_start3A_246] : memref<172800xf32, #tpu.memory_space<vmem_shared>> -> memref<172800xf32, #tpu.memory_space<vmem_shared>>
      tpu.enqueue_indirect_dma source(%arg22 : memref<1280xf32, #tpu.memory_space<vmem>>) target(%dma_start3A_247 : memref<172800xf32, #tpu.memory_space<vmem_shared>>) offsets(%arg14 : memref<1280xi32, #tpu.memory_space<vmem>>) semaphore(%arg31 : memref<!tpu.dma_semaphore, #tpu.memory_space<semaphore_mem>>) {add = true}
      %add3A_248 = arith.constant 5120 : i32
      %add3A_249 = arith.addi %mul3A_2, %add3A_248 : i32
      %dma_start3A_250 = tpu.memref_slice %arg2[%add3A_249] : memref<102400xf32, #tpu.memory_space<hbm>> -> memref<1280xf32, #tpu.memory_space<hbm>>
      %dma_start3A_251 = tpu.memref_slice %arg2[%add3A_249] : memref<102400xf32, #tpu.memory_space<hbm>> -> memref<1280xf32, #tpu.memory_space<hbm>>
      tpu.enqueue_dma source(%dma_start3A_251 : memref<1280xf32, #tpu.memory_space<hbm>>) target(%arg15 : memref<1280xf32, #tpu.memory_space<vmem>>) target_semaphore(%arg32 : memref<!tpu.dma_semaphore, #tpu.memory_space<semaphore_mem>>)
      %add3A_252 = arith.constant 5120 : i32
      %add3A_253 = arith.addi %mul3A_2, %add3A_252 : i32
      %dma_start3A_254 = tpu.memref_slice %arg3[%add3A_253] : memref<102400xf32, #tpu.memory_space<hbm>> -> memref<1280xf32, #tpu.memory_space<hbm>>
      %dma_start3A_255 = tpu.memref_slice %arg3[%add3A_253] : memref<102400xf32, #tpu.memory_space<hbm>> -> memref<1280xf32, #tpu.memory_space<hbm>>
      tpu.enqueue_dma source(%dma_start3A_255 : memref<1280xf32, #tpu.memory_space<hbm>>) target(%arg16 : memref<1280xf32, #tpu.memory_space<vmem>>) target_semaphore(%arg32 : memref<!tpu.dma_semaphore, #tpu.memory_space<semaphore_mem>>)
      %add3A_256 = arith.constant 5120 : i32
      %add3A_257 = arith.addi %mul3A_2, %add3A_256 : i32
      %dma_start3A_258 = tpu.memref_slice %arg4[%add3A_257] : memref<102400xf32, #tpu.memory_space<hbm>> -> memref<1280xf32, #tpu.memory_space<hbm>>
      %dma_start3A_259 = tpu.memref_slice %arg4[%add3A_257] : memref<102400xf32, #tpu.memory_space<hbm>> -> memref<1280xf32, #tpu.memory_space<hbm>>
      tpu.enqueue_dma source(%dma_start3A_259 : memref<1280xf32, #tpu.memory_space<hbm>>) target(%arg17 : memref<1280xf32, #tpu.memory_space<vmem>>) target_semaphore(%arg32 : memref<!tpu.dma_semaphore, #tpu.memory_space<semaphore_mem>>)
      %add3A_260 = arith.constant 5120 : i32
      %add3A_261 = arith.addi %mul3A_2, %add3A_260 : i32
      %dma_start3A_262 = tpu.memref_slice %arg7[%add3A_261] : memref<102400xi32, #tpu.memory_space<hbm>> -> memref<1280xi32, #tpu.memory_space<hbm>>
      %dma_start3A_263 = tpu.memref_slice %arg7[%add3A_261] : memref<102400xi32, #tpu.memory_space<hbm>> -> memref<1280xi32, #tpu.memory_space<hbm>>
      tpu.enqueue_dma source(%dma_start3A_263 : memref<1280xi32, #tpu.memory_space<hbm>>) target(%arg13 : memref<1280xi32, #tpu.memory_space<vmem>>) target_semaphore(%arg32 : memref<!tpu.dma_semaphore, #tpu.memory_space<semaphore_mem>>)
      %dma_wait3A_264 = tpu.memref_slice %arg2[%add3A_249] : memref<102400xf32, #tpu.memory_space<hbm>> -> memref<1280xf32, #tpu.memory_space<hbm>>
      %dma_wait3A_265 = tpu.memref_slice %arg2[%add3A_249] : memref<102400xf32, #tpu.memory_space<hbm>> -> memref<1280xf32, #tpu.memory_space<hbm>>
      tpu.wait_dma2 semaphore(%arg32 : memref<!tpu.dma_semaphore, #tpu.memory_space<semaphore_mem>>) src(%dma_wait3A_265 : memref<1280xf32, #tpu.memory_space<hbm>>) dst(%arg15 : memref<1280xf32, #tpu.memory_space<vmem>>)
      %dma_wait3A_266 = tpu.memref_slice %arg3[%add3A_253] : memref<102400xf32, #tpu.memory_space<hbm>> -> memref<1280xf32, #tpu.memory_space<hbm>>
      %dma_wait3A_267 = tpu.memref_slice %arg3[%add3A_253] : memref<102400xf32, #tpu.memory_space<hbm>> -> memref<1280xf32, #tpu.memory_space<hbm>>
      tpu.wait_dma2 semaphore(%arg32 : memref<!tpu.dma_semaphore, #tpu.memory_space<semaphore_mem>>) src(%dma_wait3A_267 : memref<1280xf32, #tpu.memory_space<hbm>>) dst(%arg16 : memref<1280xf32, #tpu.memory_space<vmem>>)
      %dma_wait3A_268 = tpu.memref_slice %arg4[%add3A_257] : memref<102400xf32, #tpu.memory_space<hbm>> -> memref<1280xf32, #tpu.memory_space<hbm>>
      %dma_wait3A_269 = tpu.memref_slice %arg4[%add3A_257] : memref<102400xf32, #tpu.memory_space<hbm>> -> memref<1280xf32, #tpu.memory_space<hbm>>
      tpu.wait_dma2 semaphore(%arg32 : memref<!tpu.dma_semaphore, #tpu.memory_space<semaphore_mem>>) src(%dma_wait3A_269 : memref<1280xf32, #tpu.memory_space<hbm>>) dst(%arg17 : memref<1280xf32, #tpu.memory_space<vmem>>)
      %dma_wait3A_270 = tpu.memref_slice %arg7[%add3A_261] : memref<102400xi32, #tpu.memory_space<hbm>> -> memref<1280xi32, #tpu.memory_space<hbm>>
      %dma_wait3A_271 = tpu.memref_slice %arg7[%add3A_261] : memref<102400xi32, #tpu.memory_space<hbm>> -> memref<1280xi32, #tpu.memory_space<hbm>>
      tpu.wait_dma2 semaphore(%arg32 : memref<!tpu.dma_semaphore, #tpu.memory_space<semaphore_mem>>) src(%dma_wait3A_271 : memref<1280xi32, #tpu.memory_space<hbm>>) dst(%arg13 : memref<1280xi32, #tpu.memory_space<vmem>>)
      %dma_wait3A_272 = arith.constant 0 : i32
      %dma_wait3A_273 = tpu.memref_slice %arg26[%dma_wait3A_272] : memref<172800xf32, #tpu.memory_space<vmem_shared>> -> memref<172800xf32, #tpu.memory_space<vmem_shared>>
      tpu.wait_indirect_dma semaphore(%arg31 : memref<!tpu.dma_semaphore, #tpu.memory_space<semaphore_mem>>) src(%arg20 : memref<1280xf32, #tpu.memory_space<vmem>>) dst(%dma_wait3A_273 : memref<172800xf32, #tpu.memory_space<vmem_shared>>)
      %dma_wait3A_274 = arith.constant 0 : i32
      %dma_wait3A_275 = tpu.memref_slice %arg27[%dma_wait3A_274] : memref<172800xf32, #tpu.memory_space<vmem_shared>> -> memref<172800xf32, #tpu.memory_space<vmem_shared>>
      tpu.wait_indirect_dma semaphore(%arg31 : memref<!tpu.dma_semaphore, #tpu.memory_space<semaphore_mem>>) src(%arg21 : memref<1280xf32, #tpu.memory_space<vmem>>) dst(%dma_wait3A_275 : memref<172800xf32, #tpu.memory_space<vmem_shared>>)
      %dma_wait3A_276 = arith.constant 0 : i32
      %dma_wait3A_277 = tpu.memref_slice %arg28[%dma_wait3A_276] : memref<172800xf32, #tpu.memory_space<vmem_shared>> -> memref<172800xf32, #tpu.memory_space<vmem_shared>>
      tpu.wait_indirect_dma semaphore(%arg31 : memref<!tpu.dma_semaphore, #tpu.memory_space<semaphore_mem>>) src(%arg22 : memref<1280xf32, #tpu.memory_space<vmem>>) dst(%dma_wait3A_277 : memref<172800xf32, #tpu.memory_space<vmem_shared>>)
    } else {
    }
    %ne3A_216 = arith.constant 0 : i32
    %ne3A_217 = arith.cmpi ne, %arg0, %ne3A_216 : i32
    %convert_element_type3A_218 = arith.extui %ne3A_217 : i1 to i32
    %cond3A_219 = arith.constant 0 : i32
    %cond3A_220 = arith.cmpi ne, %convert_element_type3A_218, %cond3A_219 : i32
    scf.if %cond3A_220 {
      %dma_start3A_242 = arith.constant 0 : i32
      %dma_start3A_243 = tpu.memref_slice %arg29[%dma_start3A_242] : memref<172800xf32, #tpu.memory_space<vmem_shared>> -> memref<172800xf32, #tpu.memory_space<vmem_shared>>
      tpu.enqueue_indirect_dma source(%arg23 : memref<1280xf32, #tpu.memory_space<vmem>>) target(%dma_start3A_243 : memref<172800xf32, #tpu.memory_space<vmem_shared>>) offsets(%arg14 : memref<1280xi32, #tpu.memory_space<vmem>>) semaphore(%arg31 : memref<!tpu.dma_semaphore, #tpu.memory_space<semaphore_mem>>) {add = true}
      %dma_start3A_244 = arith.constant 0 : i32
      %dma_start3A_245 = tpu.memref_slice %arg30[%dma_start3A_244] : memref<172800xf32, #tpu.memory_space<vmem_shared>> -> memref<172800xf32, #tpu.memory_space<vmem_shared>>
      tpu.enqueue_indirect_dma source(%arg24 : memref<1280xf32, #tpu.memory_space<vmem>>) target(%dma_start3A_245 : memref<172800xf32, #tpu.memory_space<vmem_shared>>) offsets(%arg14 : memref<1280xi32, #tpu.memory_space<vmem>>) semaphore(%arg31 : memref<!tpu.dma_semaphore, #tpu.memory_space<semaphore_mem>>) {add = true}
      %add3A_246 = arith.constant 5120 : i32
      %add3A_247 = arith.addi %mul3A_2, %add3A_246 : i32
      %dma_start3A_248 = tpu.memref_slice %arg5[%add3A_247] : memref<102400xf32, #tpu.memory_space<hbm>> -> memref<1280xf32, #tpu.memory_space<hbm>>
      %dma_start3A_249 = tpu.memref_slice %arg5[%add3A_247] : memref<102400xf32, #tpu.memory_space<hbm>> -> memref<1280xf32, #tpu.memory_space<hbm>>
      tpu.enqueue_dma source(%dma_start3A_249 : memref<1280xf32, #tpu.memory_space<hbm>>) target(%arg18 : memref<1280xf32, #tpu.memory_space<vmem>>) target_semaphore(%arg32 : memref<!tpu.dma_semaphore, #tpu.memory_space<semaphore_mem>>)
      %add3A_250 = arith.constant 5120 : i32
      %add3A_251 = arith.addi %mul3A_2, %add3A_250 : i32
      %dma_start3A_252 = tpu.memref_slice %arg6[%add3A_251] : memref<102400xf32, #tpu.memory_space<hbm>> -> memref<1280xf32, #tpu.memory_space<hbm>>
      %dma_start3A_253 = tpu.memref_slice %arg6[%add3A_251] : memref<102400xf32, #tpu.memory_space<hbm>> -> memref<1280xf32, #tpu.memory_space<hbm>>
      tpu.enqueue_dma source(%dma_start3A_253 : memref<1280xf32, #tpu.memory_space<hbm>>) target(%arg19 : memref<1280xf32, #tpu.memory_space<vmem>>) target_semaphore(%arg32 : memref<!tpu.dma_semaphore, #tpu.memory_space<semaphore_mem>>)
      %add3A_254 = arith.constant 5120 : i32
      %add3A_255 = arith.addi %mul3A_2, %add3A_254 : i32
      %dma_start3A_256 = tpu.memref_slice %arg7[%add3A_255] : memref<102400xi32, #tpu.memory_space<hbm>> -> memref<1280xi32, #tpu.memory_space<hbm>>
      %dma_start3A_257 = tpu.memref_slice %arg7[%add3A_255] : memref<102400xi32, #tpu.memory_space<hbm>> -> memref<1280xi32, #tpu.memory_space<hbm>>
      tpu.enqueue_dma source(%dma_start3A_257 : memref<1280xi32, #tpu.memory_space<hbm>>) target(%arg13 : memref<1280xi32, #tpu.memory_space<vmem>>) target_semaphore(%arg32 : memref<!tpu.dma_semaphore, #tpu.memory_space<semaphore_mem>>)
      %dma_wait3A_258 = tpu.memref_slice %arg5[%add3A_247] : memref<102400xf32, #tpu.memory_space<hbm>> -> memref<1280xf32, #tpu.memory_space<hbm>>
      %dma_wait3A_259 = tpu.memref_slice %arg5[%add3A_247] : memref<102400xf32, #tpu.memory_space<hbm>> -> memref<1280xf32, #tpu.memory_space<hbm>>
      tpu.wait_dma2 semaphore(%arg32 : memref<!tpu.dma_semaphore, #tpu.memory_space<semaphore_mem>>) src(%dma_wait3A_259 : memref<1280xf32, #tpu.memory_space<hbm>>) dst(%arg18 : memref<1280xf32, #tpu.memory_space<vmem>>)
      %dma_wait3A_260 = tpu.memref_slice %arg6[%add3A_251] : memref<102400xf32, #tpu.memory_space<hbm>> -> memref<1280xf32, #tpu.memory_space<hbm>>
      %dma_wait3A_261 = tpu.memref_slice %arg6[%add3A_251] : memref<102400xf32, #tpu.memory_space<hbm>> -> memref<1280xf32, #tpu.memory_space<hbm>>
      tpu.wait_dma2 semaphore(%arg32 : memref<!tpu.dma_semaphore, #tpu.memory_space<semaphore_mem>>) src(%dma_wait3A_261 : memref<1280xf32, #tpu.memory_space<hbm>>) dst(%arg19 : memref<1280xf32, #tpu.memory_space<vmem>>)
      %dma_wait3A_262 = tpu.memref_slice %arg7[%add3A_255] : memref<102400xi32, #tpu.memory_space<hbm>> -> memref<1280xi32, #tpu.memory_space<hbm>>
      %dma_wait3A_263 = tpu.memref_slice %arg7[%add3A_255] : memref<102400xi32, #tpu.memory_space<hbm>> -> memref<1280xi32, #tpu.memory_space<hbm>>
      tpu.wait_dma2 semaphore(%arg32 : memref<!tpu.dma_semaphore, #tpu.memory_space<semaphore_mem>>) src(%dma_wait3A_263 : memref<1280xi32, #tpu.memory_space<hbm>>) dst(%arg13 : memref<1280xi32, #tpu.memory_space<vmem>>)
      %dma_wait3A_264 = arith.constant 0 : i32
      %dma_wait3A_265 = tpu.memref_slice %arg29[%dma_wait3A_264] : memref<172800xf32, #tpu.memory_space<vmem_shared>> -> memref<172800xf32, #tpu.memory_space<vmem_shared>>
      tpu.wait_indirect_dma semaphore(%arg31 : memref<!tpu.dma_semaphore, #tpu.memory_space<semaphore_mem>>) src(%arg23 : memref<1280xf32, #tpu.memory_space<vmem>>) dst(%dma_wait3A_265 : memref<172800xf32, #tpu.memory_space<vmem_shared>>)
      %dma_wait3A_266 = arith.constant 0 : i32
      %dma_wait3A_267 = tpu.memref_slice %arg30[%dma_wait3A_266] : memref<172800xf32, #tpu.memory_space<vmem_shared>> -> memref<172800xf32, #tpu.memory_space<vmem_shared>>
      tpu.wait_indirect_dma semaphore(%arg31 : memref<!tpu.dma_semaphore, #tpu.memory_space<semaphore_mem>>) src(%arg24 : memref<1280xf32, #tpu.memory_space<vmem>>) dst(%dma_wait3A_267 : memref<172800xf32, #tpu.memory_space<vmem_shared>>)
    } else {
    }
    %eq3A_221 = arith.constant 0 : i32
    %eq3A_222 = arith.cmpi eq, %arg0, %eq3A_221 : i32
    %convert_element_type3A_223 = arith.extui %eq3A_222 : i1 to i32
    %cond3A_224 = arith.constant 0 : i32
    %cond3A_225 = arith.cmpi ne, %convert_element_type3A_223, %cond3A_224 : i32
    scf.if %cond3A_225 {
      %dma_start3A_242 = arith.constant 0 : i32
      %dma_start3A_243 = tpu.memref_slice %arg26[%dma_start3A_242] : memref<172800xf32, #tpu.memory_space<vmem_shared>> -> memref<172800xf32, #tpu.memory_space<vmem_shared>>
      tpu.enqueue_indirect_dma source(%arg15 : memref<1280xf32, #tpu.memory_space<vmem>>) target(%dma_start3A_243 : memref<172800xf32, #tpu.memory_space<vmem_shared>>) offsets(%arg13 : memref<1280xi32, #tpu.memory_space<vmem>>) semaphore(%arg31 : memref<!tpu.dma_semaphore, #tpu.memory_space<semaphore_mem>>) {add = true}
      %dma_start3A_244 = arith.constant 0 : i32
      %dma_start3A_245 = tpu.memref_slice %arg27[%dma_start3A_244] : memref<172800xf32, #tpu.memory_space<vmem_shared>> -> memref<172800xf32, #tpu.memory_space<vmem_shared>>
      tpu.enqueue_indirect_dma source(%arg16 : memref<1280xf32, #tpu.memory_space<vmem>>) target(%dma_start3A_245 : memref<172800xf32, #tpu.memory_space<vmem_shared>>) offsets(%arg13 : memref<1280xi32, #tpu.memory_space<vmem>>) semaphore(%arg31 : memref<!tpu.dma_semaphore, #tpu.memory_space<semaphore_mem>>) {add = true}
      %dma_start3A_246 = arith.constant 0 : i32
      %dma_start3A_247 = tpu.memref_slice %arg28[%dma_start3A_246] : memref<172800xf32, #tpu.memory_space<vmem_shared>> -> memref<172800xf32, #tpu.memory_space<vmem_shared>>
      tpu.enqueue_indirect_dma source(%arg17 : memref<1280xf32, #tpu.memory_space<vmem>>) target(%dma_start3A_247 : memref<172800xf32, #tpu.memory_space<vmem_shared>>) offsets(%arg13 : memref<1280xi32, #tpu.memory_space<vmem>>) semaphore(%arg31 : memref<!tpu.dma_semaphore, #tpu.memory_space<semaphore_mem>>) {add = true}
      %dma_wait3A_248 = arith.constant 0 : i32
      %dma_wait3A_249 = tpu.memref_slice %arg26[%dma_wait3A_248] : memref<172800xf32, #tpu.memory_space<vmem_shared>> -> memref<172800xf32, #tpu.memory_space<vmem_shared>>
      tpu.wait_indirect_dma semaphore(%arg31 : memref<!tpu.dma_semaphore, #tpu.memory_space<semaphore_mem>>) src(%arg15 : memref<1280xf32, #tpu.memory_space<vmem>>) dst(%dma_wait3A_249 : memref<172800xf32, #tpu.memory_space<vmem_shared>>)
      %dma_wait3A_250 = arith.constant 0 : i32
      %dma_wait3A_251 = tpu.memref_slice %arg27[%dma_wait3A_250] : memref<172800xf32, #tpu.memory_space<vmem_shared>> -> memref<172800xf32, #tpu.memory_space<vmem_shared>>
      tpu.wait_indirect_dma semaphore(%arg31 : memref<!tpu.dma_semaphore, #tpu.memory_space<semaphore_mem>>) src(%arg16 : memref<1280xf32, #tpu.memory_space<vmem>>) dst(%dma_wait3A_251 : memref<172800xf32, #tpu.memory_space<vmem_shared>>)
      %dma_wait3A_252 = arith.constant 0 : i32
      %dma_wait3A_253 = tpu.memref_slice %arg28[%dma_wait3A_252] : memref<172800xf32, #tpu.memory_space<vmem_shared>> -> memref<172800xf32, #tpu.memory_space<vmem_shared>>
      tpu.wait_indirect_dma semaphore(%arg31 : memref<!tpu.dma_semaphore, #tpu.memory_space<semaphore_mem>>) src(%arg17 : memref<1280xf32, #tpu.memory_space<vmem>>) dst(%dma_wait3A_253 : memref<172800xf32, #tpu.memory_space<vmem_shared>>)
    } else {
    }
    %ne3A_226 = arith.constant 0 : i32
    %ne3A_227 = arith.cmpi ne, %arg0, %ne3A_226 : i32
    %convert_element_type3A_228 = arith.extui %ne3A_227 : i1 to i32
    %cond3A_229 = arith.constant 0 : i32
    %cond3A_230 = arith.cmpi ne, %convert_element_type3A_228, %cond3A_229 : i32
    scf.if %cond3A_230 {
      %dma_start3A_242 = arith.constant 0 : i32
      %dma_start3A_243 = tpu.memref_slice %arg29[%dma_start3A_242] : memref<172800xf32, #tpu.memory_space<vmem_shared>> -> memref<172800xf32, #tpu.memory_space<vmem_shared>>
      tpu.enqueue_indirect_dma source(%arg18 : memref<1280xf32, #tpu.memory_space<vmem>>) target(%dma_start3A_243 : memref<172800xf32, #tpu.memory_space<vmem_shared>>) offsets(%arg13 : memref<1280xi32, #tpu.memory_space<vmem>>) semaphore(%arg31 : memref<!tpu.dma_semaphore, #tpu.memory_space<semaphore_mem>>) {add = true}
      %dma_start3A_244 = arith.constant 0 : i32
      %dma_start3A_245 = tpu.memref_slice %arg30[%dma_start3A_244] : memref<172800xf32, #tpu.memory_space<vmem_shared>> -> memref<172800xf32, #tpu.memory_space<vmem_shared>>
      tpu.enqueue_indirect_dma source(%arg19 : memref<1280xf32, #tpu.memory_space<vmem>>) target(%dma_start3A_245 : memref<172800xf32, #tpu.memory_space<vmem_shared>>) offsets(%arg13 : memref<1280xi32, #tpu.memory_space<vmem>>) semaphore(%arg31 : memref<!tpu.dma_semaphore, #tpu.memory_space<semaphore_mem>>) {add = true}
      %dma_wait3A_246 = arith.constant 0 : i32
      %dma_wait3A_247 = tpu.memref_slice %arg29[%dma_wait3A_246] : memref<172800xf32, #tpu.memory_space<vmem_shared>> -> memref<172800xf32, #tpu.memory_space<vmem_shared>>
      tpu.wait_indirect_dma semaphore(%arg31 : memref<!tpu.dma_semaphore, #tpu.memory_space<semaphore_mem>>) src(%arg18 : memref<1280xf32, #tpu.memory_space<vmem>>) dst(%dma_wait3A_247 : memref<172800xf32, #tpu.memory_space<vmem_shared>>)
      %dma_wait3A_248 = arith.constant 0 : i32
      %dma_wait3A_249 = tpu.memref_slice %arg30[%dma_wait3A_248] : memref<172800xf32, #tpu.memory_space<vmem_shared>> -> memref<172800xf32, #tpu.memory_space<vmem_shared>>
      tpu.wait_indirect_dma semaphore(%arg31 : memref<!tpu.dma_semaphore, #tpu.memory_space<semaphore_mem>>) src(%arg19 : memref<1280xf32, #tpu.memory_space<vmem>>) dst(%dma_wait3A_249 : memref<172800xf32, #tpu.memory_space<vmem_shared>>)
    } else {
    }
    %barrier3A_231 = arith.constant 0 : index
    tpu.barrier barrier_id(%barrier3A_231)
    %eq3A_232 = arith.constant 0 : i32
    "tpu.trace_stop"() : () -> ()
    "tpu.trace_start"() <{level = 10 : i32, message = "copyout_phase"}> : () -> ()
    %eq3A_233 = arith.cmpi eq, %arg0, %eq3A_232 : i32
    %convert_element_type3A_234 = arith.extui %eq3A_233 : i1 to i32
    %cond3A_235 = arith.constant 0 : i32
    %cond3A_236 = arith.cmpi ne, %convert_element_type3A_234, %cond3A_235 : i32
    scf.if %cond3A_236 {
      %mul3A_242 = arith.constant 10800 : i32
      %mul3A_243 = arith.muli %arg1, %mul3A_242 : i32
      %add3A_244 = arith.constant 0 : i32
      %add3A_245 = arith.addi %mul3A_243, %add3A_244 : i32
      "tpu.region"() ({
        %run_scoped3A = tpu.sem_alloc : memref<!tpu.dma_semaphore, #tpu.memory_space<semaphore_mem>>
        %dma_start3A_266 = arith.constant 0 : i32
        %dma_start3A_267 = tpu.memref_slice %arg25[%dma_start3A_266] : memref<5408xf32, #tpu.memory_space<vmem>> -> memref<5400xf32, #tpu.memory_space<vmem>>
        %dma_start3A_268 = tpu.memref_slice %arg26[%add3A_245] : memref<172800xf32, #tpu.memory_space<vmem_shared>> -> memref<5400xf32, #tpu.memory_space<vmem_shared>>
        %dma_start3A_269 = arith.constant 0 : i32
        %dma_start3A_270 = tpu.memref_slice %arg25[%dma_start3A_269] : memref<5408xf32, #tpu.memory_space<vmem>> -> memref<5400xf32, #tpu.memory_space<vmem>>
        %dma_start3A_271 = tpu.memref_slice %arg26[%add3A_245] : memref<172800xf32, #tpu.memory_space<vmem_shared>> -> memref<5400xf32, #tpu.memory_space<vmem_shared>>
        tpu.enqueue_dma source(%dma_start3A_271 : memref<5400xf32, #tpu.memory_space<vmem_shared>>) target(%dma_start3A_270 : memref<5400xf32, #tpu.memory_space<vmem>>) target_semaphore(%run_scoped3A : memref<!tpu.dma_semaphore, #tpu.memory_space<semaphore_mem>>)
        %dma_wait3A_272 = arith.constant 0 : i32
        %dma_wait3A_273 = tpu.memref_slice %arg25[%dma_wait3A_272] : memref<5408xf32, #tpu.memory_space<vmem>> -> memref<5400xf32, #tpu.memory_space<vmem>>
        %dma_wait3A_274 = tpu.memref_slice %arg26[%add3A_245] : memref<172800xf32, #tpu.memory_space<vmem_shared>> -> memref<5400xf32, #tpu.memory_space<vmem_shared>>
        %dma_wait3A_275 = arith.constant 0 : i32
        %dma_wait3A_276 = tpu.memref_slice %arg25[%dma_wait3A_275] : memref<5408xf32, #tpu.memory_space<vmem>> -> memref<5400xf32, #tpu.memory_space<vmem>>
        %dma_wait3A_277 = tpu.memref_slice %arg26[%add3A_245] : memref<172800xf32, #tpu.memory_space<vmem_shared>> -> memref<5400xf32, #tpu.memory_space<vmem_shared>>
        tpu.wait_dma2 semaphore(%run_scoped3A : memref<!tpu.dma_semaphore, #tpu.memory_space<semaphore_mem>>) src(%dma_wait3A_277 : memref<5400xf32, #tpu.memory_space<vmem_shared>>) dst(%dma_wait3A_276 : memref<5400xf32, #tpu.memory_space<vmem>>)
        tpu.yield
      }) : () -> ()
      "tpu.region"() ({
        %run_scoped3A = tpu.sem_alloc : memref<!tpu.dma_semaphore, #tpu.memory_space<semaphore_mem>>
        %dma_start3A_266 = arith.constant 0 : i32
        %dma_start3A_267 = tpu.memref_slice %arg25[%dma_start3A_266] : memref<5408xf32, #tpu.memory_space<vmem>> -> memref<5400xf32, #tpu.memory_space<vmem>>
        %dma_start3A_268 = tpu.memref_slice %arg8[%add3A_245] : memref<172800xf32, #tpu.memory_space<hbm>> -> memref<5400xf32, #tpu.memory_space<hbm>>
        %dma_start3A_269 = tpu.memref_slice %arg8[%add3A_245] : memref<172800xf32, #tpu.memory_space<hbm>> -> memref<5400xf32, #tpu.memory_space<hbm>>
        %dma_start3A_270 = arith.constant 0 : i32
        %dma_start3A_271 = tpu.memref_slice %arg25[%dma_start3A_270] : memref<5408xf32, #tpu.memory_space<vmem>> -> memref<5400xf32, #tpu.memory_space<vmem>>
        tpu.enqueue_dma source(%dma_start3A_271 : memref<5400xf32, #tpu.memory_space<vmem>>) target(%dma_start3A_269 : memref<5400xf32, #tpu.memory_space<hbm>>) target_semaphore(%run_scoped3A : memref<!tpu.dma_semaphore, #tpu.memory_space<semaphore_mem>>)
        %dma_wait3A_272 = arith.constant 0 : i32
        %dma_wait3A_273 = tpu.memref_slice %arg25[%dma_wait3A_272] : memref<5408xf32, #tpu.memory_space<vmem>> -> memref<5400xf32, #tpu.memory_space<vmem>>
        %dma_wait3A_274 = tpu.memref_slice %arg8[%add3A_245] : memref<172800xf32, #tpu.memory_space<hbm>> -> memref<5400xf32, #tpu.memory_space<hbm>>
        %dma_wait3A_275 = tpu.memref_slice %arg8[%add3A_245] : memref<172800xf32, #tpu.memory_space<hbm>> -> memref<5400xf32, #tpu.memory_space<hbm>>
        %dma_wait3A_276 = arith.constant 0 : i32
        %dma_wait3A_277 = tpu.memref_slice %arg25[%dma_wait3A_276] : memref<5408xf32, #tpu.memory_space<vmem>> -> memref<5400xf32, #tpu.memory_space<vmem>>
        tpu.wait_dma2 semaphore(%run_scoped3A : memref<!tpu.dma_semaphore, #tpu.memory_space<semaphore_mem>>) src(%dma_wait3A_277 : memref<5400xf32, #tpu.memory_space<vmem>>) dst(%dma_wait3A_275 : memref<5400xf32, #tpu.memory_space<hbm>>)
        tpu.yield
      }) : () -> ()
      %mul3A_246 = arith.constant 10800 : i32
      %mul3A_247 = arith.muli %arg1, %mul3A_246 : i32
      %add3A_248 = arith.constant 5400 : i32
      %add3A_249 = arith.addi %mul3A_247, %add3A_248 : i32
      "tpu.region"() ({
        %run_scoped3A = tpu.sem_alloc : memref<!tpu.dma_semaphore, #tpu.memory_space<semaphore_mem>>
        %dma_start3A_266 = arith.constant 0 : i32
        %dma_start3A_267 = tpu.memref_slice %arg25[%dma_start3A_266] : memref<5408xf32, #tpu.memory_space<vmem>> -> memref<5400xf32, #tpu.memory_space<vmem>>
        %dma_start3A_268 = tpu.memref_slice %arg26[%add3A_249] : memref<172800xf32, #tpu.memory_space<vmem_shared>> -> memref<5400xf32, #tpu.memory_space<vmem_shared>>
        %dma_start3A_269 = arith.constant 0 : i32
        %dma_start3A_270 = tpu.memref_slice %arg25[%dma_start3A_269] : memref<5408xf32, #tpu.memory_space<vmem>> -> memref<5400xf32, #tpu.memory_space<vmem>>
        %dma_start3A_271 = tpu.memref_slice %arg26[%add3A_249] : memref<172800xf32, #tpu.memory_space<vmem_shared>> -> memref<5400xf32, #tpu.memory_space<vmem_shared>>
        tpu.enqueue_dma source(%dma_start3A_271 : memref<5400xf32, #tpu.memory_space<vmem_shared>>) target(%dma_start3A_270 : memref<5400xf32, #tpu.memory_space<vmem>>) target_semaphore(%run_scoped3A : memref<!tpu.dma_semaphore, #tpu.memory_space<semaphore_mem>>)
        %dma_wait3A_272 = arith.constant 0 : i32
        %dma_wait3A_273 = tpu.memref_slice %arg25[%dma_wait3A_272] : memref<5408xf32, #tpu.memory_space<vmem>> -> memref<5400xf32, #tpu.memory_space<vmem>>
        %dma_wait3A_274 = tpu.memref_slice %arg26[%add3A_249] : memref<172800xf32, #tpu.memory_space<vmem_shared>> -> memref<5400xf32, #tpu.memory_space<vmem_shared>>
        %dma_wait3A_275 = arith.constant 0 : i32
        %dma_wait3A_276 = tpu.memref_slice %arg25[%dma_wait3A_275] : memref<5408xf32, #tpu.memory_space<vmem>> -> memref<5400xf32, #tpu.memory_space<vmem>>
        %dma_wait3A_277 = tpu.memref_slice %arg26[%add3A_249] : memref<172800xf32, #tpu.memory_space<vmem_shared>> -> memref<5400xf32, #tpu.memory_space<vmem_shared>>
        tpu.wait_dma2 semaphore(%run_scoped3A : memref<!tpu.dma_semaphore, #tpu.memory_space<semaphore_mem>>) src(%dma_wait3A_277 : memref<5400xf32, #tpu.memory_space<vmem_shared>>) dst(%dma_wait3A_276 : memref<5400xf32, #tpu.memory_space<vmem>>)
        tpu.yield
      }) : () -> ()
      "tpu.region"() ({
        %run_scoped3A = tpu.sem_alloc : memref<!tpu.dma_semaphore, #tpu.memory_space<semaphore_mem>>
        %dma_start3A_266 = arith.constant 0 : i32
        %dma_start3A_267 = tpu.memref_slice %arg25[%dma_start3A_266] : memref<5408xf32, #tpu.memory_space<vmem>> -> memref<5400xf32, #tpu.memory_space<vmem>>
        %dma_start3A_268 = tpu.memref_slice %arg8[%add3A_249] : memref<172800xf32, #tpu.memory_space<hbm>> -> memref<5400xf32, #tpu.memory_space<hbm>>
        %dma_start3A_269 = tpu.memref_slice %arg8[%add3A_249] : memref<172800xf32, #tpu.memory_space<hbm>> -> memref<5400xf32, #tpu.memory_space<hbm>>
        %dma_start3A_270 = arith.constant 0 : i32
        %dma_start3A_271 = tpu.memref_slice %arg25[%dma_start3A_270] : memref<5408xf32, #tpu.memory_space<vmem>> -> memref<5400xf32, #tpu.memory_space<vmem>>
        tpu.enqueue_dma source(%dma_start3A_271 : memref<5400xf32, #tpu.memory_space<vmem>>) target(%dma_start3A_269 : memref<5400xf32, #tpu.memory_space<hbm>>) target_semaphore(%run_scoped3A : memref<!tpu.dma_semaphore, #tpu.memory_space<semaphore_mem>>)
        %dma_wait3A_272 = arith.constant 0 : i32
        %dma_wait3A_273 = tpu.memref_slice %arg25[%dma_wait3A_272] : memref<5408xf32, #tpu.memory_space<vmem>> -> memref<5400xf32, #tpu.memory_space<vmem>>
        %dma_wait3A_274 = tpu.memref_slice %arg8[%add3A_249] : memref<172800xf32, #tpu.memory_space<hbm>> -> memref<5400xf32, #tpu.memory_space<hbm>>
        %dma_wait3A_275 = tpu.memref_slice %arg8[%add3A_249] : memref<172800xf32, #tpu.memory_space<hbm>> -> memref<5400xf32, #tpu.memory_space<hbm>>
        %dma_wait3A_276 = arith.constant 0 : i32
        %dma_wait3A_277 = tpu.memref_slice %arg25[%dma_wait3A_276] : memref<5408xf32, #tpu.memory_space<vmem>> -> memref<5400xf32, #tpu.memory_space<vmem>>
        tpu.wait_dma2 semaphore(%run_scoped3A : memref<!tpu.dma_semaphore, #tpu.memory_space<semaphore_mem>>) src(%dma_wait3A_277 : memref<5400xf32, #tpu.memory_space<vmem>>) dst(%dma_wait3A_275 : memref<5400xf32, #tpu.memory_space<hbm>>)
        tpu.yield
      }) : () -> ()
      %mul3A_250 = arith.constant 10800 : i32
      %mul3A_251 = arith.muli %arg1, %mul3A_250 : i32
      %add3A_252 = arith.constant 0 : i32
      %add3A_253 = arith.addi %mul3A_251, %add3A_252 : i32
      "tpu.region"() ({
        %run_scoped3A = tpu.sem_alloc : memref<!tpu.dma_semaphore, #tpu.memory_space<semaphore_mem>>
        %dma_start3A_266 = arith.constant 0 : i32
        %dma_start3A_267 = tpu.memref_slice %arg25[%dma_start3A_266] : memref<5408xf32, #tpu.memory_space<vmem>> -> memref<5400xf32, #tpu.memory_space<vmem>>
        %dma_start3A_268 = tpu.memref_slice %arg27[%add3A_253] : memref<172800xf32, #tpu.memory_space<vmem_shared>> -> memref<5400xf32, #tpu.memory_space<vmem_shared>>
        %dma_start3A_269 = arith.constant 0 : i32
        %dma_start3A_270 = tpu.memref_slice %arg25[%dma_start3A_269] : memref<5408xf32, #tpu.memory_space<vmem>> -> memref<5400xf32, #tpu.memory_space<vmem>>
        %dma_start3A_271 = tpu.memref_slice %arg27[%add3A_253] : memref<172800xf32, #tpu.memory_space<vmem_shared>> -> memref<5400xf32, #tpu.memory_space<vmem_shared>>
        tpu.enqueue_dma source(%dma_start3A_271 : memref<5400xf32, #tpu.memory_space<vmem_shared>>) target(%dma_start3A_270 : memref<5400xf32, #tpu.memory_space<vmem>>) target_semaphore(%run_scoped3A : memref<!tpu.dma_semaphore, #tpu.memory_space<semaphore_mem>>)
        %dma_wait3A_272 = arith.constant 0 : i32
        %dma_wait3A_273 = tpu.memref_slice %arg25[%dma_wait3A_272] : memref<5408xf32, #tpu.memory_space<vmem>> -> memref<5400xf32, #tpu.memory_space<vmem>>
        %dma_wait3A_274 = tpu.memref_slice %arg27[%add3A_253] : memref<172800xf32, #tpu.memory_space<vmem_shared>> -> memref<5400xf32, #tpu.memory_space<vmem_shared>>
        %dma_wait3A_275 = arith.constant 0 : i32
        %dma_wait3A_276 = tpu.memref_slice %arg25[%dma_wait3A_275] : memref<5408xf32, #tpu.memory_space<vmem>> -> memref<5400xf32, #tpu.memory_space<vmem>>
        %dma_wait3A_277 = tpu.memref_slice %arg27[%add3A_253] : memref<172800xf32, #tpu.memory_space<vmem_shared>> -> memref<5400xf32, #tpu.memory_space<vmem_shared>>
        tpu.wait_dma2 semaphore(%run_scoped3A : memref<!tpu.dma_semaphore, #tpu.memory_space<semaphore_mem>>) src(%dma_wait3A_277 : memref<5400xf32, #tpu.memory_space<vmem_shared>>) dst(%dma_wait3A_276 : memref<5400xf32, #tpu.memory_space<vmem>>)
        tpu.yield
      }) : () -> ()
      "tpu.region"() ({
        %run_scoped3A = tpu.sem_alloc : memref<!tpu.dma_semaphore, #tpu.memory_space<semaphore_mem>>
        %dma_start3A_266 = arith.constant 0 : i32
        %dma_start3A_267 = tpu.memref_slice %arg25[%dma_start3A_266] : memref<5408xf32, #tpu.memory_space<vmem>> -> memref<5400xf32, #tpu.memory_space<vmem>>
        %dma_start3A_268 = tpu.memref_slice %arg9[%add3A_253] : memref<172800xf32, #tpu.memory_space<hbm>> -> memref<5400xf32, #tpu.memory_space<hbm>>
        %dma_start3A_269 = tpu.memref_slice %arg9[%add3A_253] : memref<172800xf32, #tpu.memory_space<hbm>> -> memref<5400xf32, #tpu.memory_space<hbm>>
        %dma_start3A_270 = arith.constant 0 : i32
        %dma_start3A_271 = tpu.memref_slice %arg25[%dma_start3A_270] : memref<5408xf32, #tpu.memory_space<vmem>> -> memref<5400xf32, #tpu.memory_space<vmem>>
        tpu.enqueue_dma source(%dma_start3A_271 : memref<5400xf32, #tpu.memory_space<vmem>>) target(%dma_start3A_269 : memref<5400xf32, #tpu.memory_space<hbm>>) target_semaphore(%run_scoped3A : memref<!tpu.dma_semaphore, #tpu.memory_space<semaphore_mem>>)
        %dma_wait3A_272 = arith.constant 0 : i32
        %dma_wait3A_273 = tpu.memref_slice %arg25[%dma_wait3A_272] : memref<5408xf32, #tpu.memory_space<vmem>> -> memref<5400xf32, #tpu.memory_space<vmem>>
        %dma_wait3A_274 = tpu.memref_slice %arg9[%add3A_253] : memref<172800xf32, #tpu.memory_space<hbm>> -> memref<5400xf32, #tpu.memory_space<hbm>>
        %dma_wait3A_275 = tpu.memref_slice %arg9[%add3A_253] : memref<172800xf32, #tpu.memory_space<hbm>> -> memref<5400xf32, #tpu.memory_space<hbm>>
        %dma_wait3A_276 = arith.constant 0 : i32
        %dma_wait3A_277 = tpu.memref_slice %arg25[%dma_wait3A_276] : memref<5408xf32, #tpu.memory_space<vmem>> -> memref<5400xf32, #tpu.memory_space<vmem>>
        tpu.wait_dma2 semaphore(%run_scoped3A : memref<!tpu.dma_semaphore, #tpu.memory_space<semaphore_mem>>) src(%dma_wait3A_277 : memref<5400xf32, #tpu.memory_space<vmem>>) dst(%dma_wait3A_275 : memref<5400xf32, #tpu.memory_space<hbm>>)
        tpu.yield
      }) : () -> ()
      %mul3A_254 = arith.constant 10800 : i32
      %mul3A_255 = arith.muli %arg1, %mul3A_254 : i32
      %add3A_256 = arith.constant 5400 : i32
      %add3A_257 = arith.addi %mul3A_255, %add3A_256 : i32
      "tpu.region"() ({
        %run_scoped3A = tpu.sem_alloc : memref<!tpu.dma_semaphore, #tpu.memory_space<semaphore_mem>>
        %dma_start3A_266 = arith.constant 0 : i32
        %dma_start3A_267 = tpu.memref_slice %arg25[%dma_start3A_266] : memref<5408xf32, #tpu.memory_space<vmem>> -> memref<5400xf32, #tpu.memory_space<vmem>>
        %dma_start3A_268 = tpu.memref_slice %arg27[%add3A_257] : memref<172800xf32, #tpu.memory_space<vmem_shared>> -> memref<5400xf32, #tpu.memory_space<vmem_shared>>
        %dma_start3A_269 = arith.constant 0 : i32
        %dma_start3A_270 = tpu.memref_slice %arg25[%dma_start3A_269] : memref<5408xf32, #tpu.memory_space<vmem>> -> memref<5400xf32, #tpu.memory_space<vmem>>
        %dma_start3A_271 = tpu.memref_slice %arg27[%add3A_257] : memref<172800xf32, #tpu.memory_space<vmem_shared>> -> memref<5400xf32, #tpu.memory_space<vmem_shared>>
        tpu.enqueue_dma source(%dma_start3A_271 : memref<5400xf32, #tpu.memory_space<vmem_shared>>) target(%dma_start3A_270 : memref<5400xf32, #tpu.memory_space<vmem>>) target_semaphore(%run_scoped3A : memref<!tpu.dma_semaphore, #tpu.memory_space<semaphore_mem>>)
        %dma_wait3A_272 = arith.constant 0 : i32
        %dma_wait3A_273 = tpu.memref_slice %arg25[%dma_wait3A_272] : memref<5408xf32, #tpu.memory_space<vmem>> -> memref<5400xf32, #tpu.memory_space<vmem>>
        %dma_wait3A_274 = tpu.memref_slice %arg27[%add3A_257] : memref<172800xf32, #tpu.memory_space<vmem_shared>> -> memref<5400xf32, #tpu.memory_space<vmem_shared>>
        %dma_wait3A_275 = arith.constant 0 : i32
        %dma_wait3A_276 = tpu.memref_slice %arg25[%dma_wait3A_275] : memref<5408xf32, #tpu.memory_space<vmem>> -> memref<5400xf32, #tpu.memory_space<vmem>>
        %dma_wait3A_277 = tpu.memref_slice %arg27[%add3A_257] : memref<172800xf32, #tpu.memory_space<vmem_shared>> -> memref<5400xf32, #tpu.memory_space<vmem_shared>>
        tpu.wait_dma2 semaphore(%run_scoped3A : memref<!tpu.dma_semaphore, #tpu.memory_space<semaphore_mem>>) src(%dma_wait3A_277 : memref<5400xf32, #tpu.memory_space<vmem_shared>>) dst(%dma_wait3A_276 : memref<5400xf32, #tpu.memory_space<vmem>>)
        tpu.yield
      }) : () -> ()
      "tpu.region"() ({
        %run_scoped3A = tpu.sem_alloc : memref<!tpu.dma_semaphore, #tpu.memory_space<semaphore_mem>>
        %dma_start3A_266 = arith.constant 0 : i32
        %dma_start3A_267 = tpu.memref_slice %arg25[%dma_start3A_266] : memref<5408xf32, #tpu.memory_space<vmem>> -> memref<5400xf32, #tpu.memory_space<vmem>>
        %dma_start3A_268 = tpu.memref_slice %arg9[%add3A_257] : memref<172800xf32, #tpu.memory_space<hbm>> -> memref<5400xf32, #tpu.memory_space<hbm>>
        %dma_start3A_269 = tpu.memref_slice %arg9[%add3A_257] : memref<172800xf32, #tpu.memory_space<hbm>> -> memref<5400xf32, #tpu.memory_space<hbm>>
        %dma_start3A_270 = arith.constant 0 : i32
        %dma_start3A_271 = tpu.memref_slice %arg25[%dma_start3A_270] : memref<5408xf32, #tpu.memory_space<vmem>> -> memref<5400xf32, #tpu.memory_space<vmem>>
        tpu.enqueue_dma source(%dma_start3A_271 : memref<5400xf32, #tpu.memory_space<vmem>>) target(%dma_start3A_269 : memref<5400xf32, #tpu.memory_space<hbm>>) target_semaphore(%run_scoped3A : memref<!tpu.dma_semaphore, #tpu.memory_space<semaphore_mem>>)
        %dma_wait3A_272 = arith.constant 0 : i32
        %dma_wait3A_273 = tpu.memref_slice %arg25[%dma_wait3A_272] : memref<5408xf32, #tpu.memory_space<vmem>> -> memref<5400xf32, #tpu.memory_space<vmem>>
        %dma_wait3A_274 = tpu.memref_slice %arg9[%add3A_257] : memref<172800xf32, #tpu.memory_space<hbm>> -> memref<5400xf32, #tpu.memory_space<hbm>>
        %dma_wait3A_275 = tpu.memref_slice %arg9[%add3A_257] : memref<172800xf32, #tpu.memory_space<hbm>> -> memref<5400xf32, #tpu.memory_space<hbm>>
        %dma_wait3A_276 = arith.constant 0 : i32
        %dma_wait3A_277 = tpu.memref_slice %arg25[%dma_wait3A_276] : memref<5408xf32, #tpu.memory_space<vmem>> -> memref<5400xf32, #tpu.memory_space<vmem>>
        tpu.wait_dma2 semaphore(%run_scoped3A : memref<!tpu.dma_semaphore, #tpu.memory_space<semaphore_mem>>) src(%dma_wait3A_277 : memref<5400xf32, #tpu.memory_space<vmem>>) dst(%dma_wait3A_275 : memref<5400xf32, #tpu.memory_space<hbm>>)
        tpu.yield
      }) : () -> ()
      %mul3A_258 = arith.constant 10800 : i32
      %mul3A_259 = arith.muli %arg1, %mul3A_258 : i32
      %add3A_260 = arith.constant 0 : i32
      %add3A_261 = arith.addi %mul3A_259, %add3A_260 : i32
      "tpu.region"() ({
        %run_scoped3A = tpu.sem_alloc : memref<!tpu.dma_semaphore, #tpu.memory_space<semaphore_mem>>
        %dma_start3A_266 = arith.constant 0 : i32
        %dma_start3A_267 = tpu.memref_slice %arg25[%dma_start3A_266] : memref<5408xf32, #tpu.memory_space<vmem>> -> memref<5400xf32, #tpu.memory_space<vmem>>
        %dma_start3A_268 = tpu.memref_slice %arg28[%add3A_261] : memref<172800xf32, #tpu.memory_space<vmem_shared>> -> memref<5400xf32, #tpu.memory_space<vmem_shared>>
        %dma_start3A_269 = arith.constant 0 : i32
        %dma_start3A_270 = tpu.memref_slice %arg25[%dma_start3A_269] : memref<5408xf32, #tpu.memory_space<vmem>> -> memref<5400xf32, #tpu.memory_space<vmem>>
        %dma_start3A_271 = tpu.memref_slice %arg28[%add3A_261] : memref<172800xf32, #tpu.memory_space<vmem_shared>> -> memref<5400xf32, #tpu.memory_space<vmem_shared>>
        tpu.enqueue_dma source(%dma_start3A_271 : memref<5400xf32, #tpu.memory_space<vmem_shared>>) target(%dma_start3A_270 : memref<5400xf32, #tpu.memory_space<vmem>>) target_semaphore(%run_scoped3A : memref<!tpu.dma_semaphore, #tpu.memory_space<semaphore_mem>>)
        %dma_wait3A_272 = arith.constant 0 : i32
        %dma_wait3A_273 = tpu.memref_slice %arg25[%dma_wait3A_272] : memref<5408xf32, #tpu.memory_space<vmem>> -> memref<5400xf32, #tpu.memory_space<vmem>>
        %dma_wait3A_274 = tpu.memref_slice %arg28[%add3A_261] : memref<172800xf32, #tpu.memory_space<vmem_shared>> -> memref<5400xf32, #tpu.memory_space<vmem_shared>>
        %dma_wait3A_275 = arith.constant 0 : i32
        %dma_wait3A_276 = tpu.memref_slice %arg25[%dma_wait3A_275] : memref<5408xf32, #tpu.memory_space<vmem>> -> memref<5400xf32, #tpu.memory_space<vmem>>
        %dma_wait3A_277 = tpu.memref_slice %arg28[%add3A_261] : memref<172800xf32, #tpu.memory_space<vmem_shared>> -> memref<5400xf32, #tpu.memory_space<vmem_shared>>
        tpu.wait_dma2 semaphore(%run_scoped3A : memref<!tpu.dma_semaphore, #tpu.memory_space<semaphore_mem>>) src(%dma_wait3A_277 : memref<5400xf32, #tpu.memory_space<vmem_shared>>) dst(%dma_wait3A_276 : memref<5400xf32, #tpu.memory_space<vmem>>)
        tpu.yield
      }) : () -> ()
      "tpu.region"() ({
        %run_scoped3A = tpu.sem_alloc : memref<!tpu.dma_semaphore, #tpu.memory_space<semaphore_mem>>
        %dma_start3A_266 = arith.constant 0 : i32
        %dma_start3A_267 = tpu.memref_slice %arg25[%dma_start3A_266] : memref<5408xf32, #tpu.memory_space<vmem>> -> memref<5400xf32, #tpu.memory_space<vmem>>
        %dma_start3A_268 = tpu.memref_slice %arg10[%add3A_261] : memref<172800xf32, #tpu.memory_space<hbm>> -> memref<5400xf32, #tpu.memory_space<hbm>>
        %dma_start3A_269 = tpu.memref_slice %arg10[%add3A_261] : memref<172800xf32, #tpu.memory_space<hbm>> -> memref<5400xf32, #tpu.memory_space<hbm>>
        %dma_start3A_270 = arith.constant 0 : i32
        %dma_start3A_271 = tpu.memref_slice %arg25[%dma_start3A_270] : memref<5408xf32, #tpu.memory_space<vmem>> -> memref<5400xf32, #tpu.memory_space<vmem>>
        tpu.enqueue_dma source(%dma_start3A_271 : memref<5400xf32, #tpu.memory_space<vmem>>) target(%dma_start3A_269 : memref<5400xf32, #tpu.memory_space<hbm>>) target_semaphore(%run_scoped3A : memref<!tpu.dma_semaphore, #tpu.memory_space<semaphore_mem>>)
        %dma_wait3A_272 = arith.constant 0 : i32
        %dma_wait3A_273 = tpu.memref_slice %arg25[%dma_wait3A_272] : memref<5408xf32, #tpu.memory_space<vmem>> -> memref<5400xf32, #tpu.memory_space<vmem>>
        %dma_wait3A_274 = tpu.memref_slice %arg10[%add3A_261] : memref<172800xf32, #tpu.memory_space<hbm>> -> memref<5400xf32, #tpu.memory_space<hbm>>
        %dma_wait3A_275 = tpu.memref_slice %arg10[%add3A_261] : memref<172800xf32, #tpu.memory_space<hbm>> -> memref<5400xf32, #tpu.memory_space<hbm>>
        %dma_wait3A_276 = arith.constant 0 : i32
        %dma_wait3A_277 = tpu.memref_slice %arg25[%dma_wait3A_276] : memref<5408xf32, #tpu.memory_space<vmem>> -> memref<5400xf32, #tpu.memory_space<vmem>>
        tpu.wait_dma2 semaphore(%run_scoped3A : memref<!tpu.dma_semaphore, #tpu.memory_space<semaphore_mem>>) src(%dma_wait3A_277 : memref<5400xf32, #tpu.memory_space<vmem>>) dst(%dma_wait3A_275 : memref<5400xf32, #tpu.memory_space<hbm>>)
        tpu.yield
      }) : () -> ()
      %mul3A_262 = arith.constant 10800 : i32
      %mul3A_263 = arith.muli %arg1, %mul3A_262 : i32
      %add3A_264 = arith.constant 5400 : i32
      %add3A_265 = arith.addi %mul3A_263, %add3A_264 : i32
      "tpu.region"() ({
        %run_scoped3A = tpu.sem_alloc : memref<!tpu.dma_semaphore, #tpu.memory_space<semaphore_mem>>
        %dma_start3A_266 = arith.constant 0 : i32
        %dma_start3A_267 = tpu.memref_slice %arg25[%dma_start3A_266] : memref<5408xf32, #tpu.memory_space<vmem>> -> memref<5400xf32, #tpu.memory_space<vmem>>
        %dma_start3A_268 = tpu.memref_slice %arg28[%add3A_265] : memref<172800xf32, #tpu.memory_space<vmem_shared>> -> memref<5400xf32, #tpu.memory_space<vmem_shared>>
        %dma_start3A_269 = arith.constant 0 : i32
        %dma_start3A_270 = tpu.memref_slice %arg25[%dma_start3A_269] : memref<5408xf32, #tpu.memory_space<vmem>> -> memref<5400xf32, #tpu.memory_space<vmem>>
        %dma_start3A_271 = tpu.memref_slice %arg28[%add3A_265] : memref<172800xf32, #tpu.memory_space<vmem_shared>> -> memref<5400xf32, #tpu.memory_space<vmem_shared>>
        tpu.enqueue_dma source(%dma_start3A_271 : memref<5400xf32, #tpu.memory_space<vmem_shared>>) target(%dma_start3A_270 : memref<5400xf32, #tpu.memory_space<vmem>>) target_semaphore(%run_scoped3A : memref<!tpu.dma_semaphore, #tpu.memory_space<semaphore_mem>>)
        %dma_wait3A_272 = arith.constant 0 : i32
        %dma_wait3A_273 = tpu.memref_slice %arg25[%dma_wait3A_272] : memref<5408xf32, #tpu.memory_space<vmem>> -> memref<5400xf32, #tpu.memory_space<vmem>>
        %dma_wait3A_274 = tpu.memref_slice %arg28[%add3A_265] : memref<172800xf32, #tpu.memory_space<vmem_shared>> -> memref<5400xf32, #tpu.memory_space<vmem_shared>>
        %dma_wait3A_275 = arith.constant 0 : i32
        %dma_wait3A_276 = tpu.memref_slice %arg25[%dma_wait3A_275] : memref<5408xf32, #tpu.memory_space<vmem>> -> memref<5400xf32, #tpu.memory_space<vmem>>
        %dma_wait3A_277 = tpu.memref_slice %arg28[%add3A_265] : memref<172800xf32, #tpu.memory_space<vmem_shared>> -> memref<5400xf32, #tpu.memory_space<vmem_shared>>
        tpu.wait_dma2 semaphore(%run_scoped3A : memref<!tpu.dma_semaphore, #tpu.memory_space<semaphore_mem>>) src(%dma_wait3A_277 : memref<5400xf32, #tpu.memory_space<vmem_shared>>) dst(%dma_wait3A_276 : memref<5400xf32, #tpu.memory_space<vmem>>)
        tpu.yield
      }) : () -> ()
      "tpu.region"() ({
        %run_scoped3A = tpu.sem_alloc : memref<!tpu.dma_semaphore, #tpu.memory_space<semaphore_mem>>
        %dma_start3A_266 = arith.constant 0 : i32
        %dma_start3A_267 = tpu.memref_slice %arg25[%dma_start3A_266] : memref<5408xf32, #tpu.memory_space<vmem>> -> memref<5400xf32, #tpu.memory_space<vmem>>
        %dma_start3A_268 = tpu.memref_slice %arg10[%add3A_265] : memref<172800xf32, #tpu.memory_space<hbm>> -> memref<5400xf32, #tpu.memory_space<hbm>>
        %dma_start3A_269 = tpu.memref_slice %arg10[%add3A_265] : memref<172800xf32, #tpu.memory_space<hbm>> -> memref<5400xf32, #tpu.memory_space<hbm>>
        %dma_start3A_270 = arith.constant 0 : i32
        %dma_start3A_271 = tpu.memref_slice %arg25[%dma_start3A_270] : memref<5408xf32, #tpu.memory_space<vmem>> -> memref<5400xf32, #tpu.memory_space<vmem>>
        tpu.enqueue_dma source(%dma_start3A_271 : memref<5400xf32, #tpu.memory_space<vmem>>) target(%dma_start3A_269 : memref<5400xf32, #tpu.memory_space<hbm>>) target_semaphore(%run_scoped3A : memref<!tpu.dma_semaphore, #tpu.memory_space<semaphore_mem>>)
        %dma_wait3A_272 = arith.constant 0 : i32
        %dma_wait3A_273 = tpu.memref_slice %arg25[%dma_wait3A_272] : memref<5408xf32, #tpu.memory_space<vmem>> -> memref<5400xf32, #tpu.memory_space<vmem>>
        %dma_wait3A_274 = tpu.memref_slice %arg10[%add3A_265] : memref<172800xf32, #tpu.memory_space<hbm>> -> memref<5400xf32, #tpu.memory_space<hbm>>
        %dma_wait3A_275 = tpu.memref_slice %arg10[%add3A_265] : memref<172800xf32, #tpu.memory_space<hbm>> -> memref<5400xf32, #tpu.memory_space<hbm>>
        %dma_wait3A_276 = arith.constant 0 : i32
        %dma_wait3A_277 = tpu.memref_slice %arg25[%dma_wait3A_276] : memref<5408xf32, #tpu.memory_space<vmem>> -> memref<5400xf32, #tpu.memory_space<vmem>>
        tpu.wait_dma2 semaphore(%run_scoped3A : memref<!tpu.dma_semaphore, #tpu.memory_space<semaphore_mem>>) src(%dma_wait3A_277 : memref<5400xf32, #tpu.memory_space<vmem>>) dst(%dma_wait3A_275 : memref<5400xf32, #tpu.memory_space<hbm>>)
        tpu.yield
      }) : () -> ()
    } else {
    }
    %ne3A_237 = arith.constant 0 : i32
    %ne3A_238 = arith.cmpi ne, %arg0, %ne3A_237 : i32
    %convert_element_type3A_239 = arith.extui %ne3A_238 : i1 to i32
    %cond3A_240 = arith.constant 0 : i32
    %cond3A_241 = arith.cmpi ne, %convert_element_type3A_239, %cond3A_240 : i32
    scf.if %cond3A_241 {
      %mul3A_242 = arith.constant 10800 : i32
      %mul3A_243 = arith.muli %arg1, %mul3A_242 : i32
      %add3A_244 = arith.constant 0 : i32
      %add3A_245 = arith.addi %mul3A_243, %add3A_244 : i32
      "tpu.region"() ({
        %run_scoped3A = tpu.sem_alloc : memref<!tpu.dma_semaphore, #tpu.memory_space<semaphore_mem>>
        %dma_start3A_258 = arith.constant 0 : i32
        %dma_start3A_259 = tpu.memref_slice %arg25[%dma_start3A_258] : memref<5408xf32, #tpu.memory_space<vmem>> -> memref<5400xf32, #tpu.memory_space<vmem>>
        %dma_start3A_260 = tpu.memref_slice %arg29[%add3A_245] : memref<172800xf32, #tpu.memory_space<vmem_shared>> -> memref<5400xf32, #tpu.memory_space<vmem_shared>>
        %dma_start3A_261 = arith.constant 0 : i32
        %dma_start3A_262 = tpu.memref_slice %arg25[%dma_start3A_261] : memref<5408xf32, #tpu.memory_space<vmem>> -> memref<5400xf32, #tpu.memory_space<vmem>>
        %dma_start3A_263 = tpu.memref_slice %arg29[%add3A_245] : memref<172800xf32, #tpu.memory_space<vmem_shared>> -> memref<5400xf32, #tpu.memory_space<vmem_shared>>
        tpu.enqueue_dma source(%dma_start3A_263 : memref<5400xf32, #tpu.memory_space<vmem_shared>>) target(%dma_start3A_262 : memref<5400xf32, #tpu.memory_space<vmem>>) target_semaphore(%run_scoped3A : memref<!tpu.dma_semaphore, #tpu.memory_space<semaphore_mem>>)
        %dma_wait3A_264 = arith.constant 0 : i32
        %dma_wait3A_265 = tpu.memref_slice %arg25[%dma_wait3A_264] : memref<5408xf32, #tpu.memory_space<vmem>> -> memref<5400xf32, #tpu.memory_space<vmem>>
        %dma_wait3A_266 = tpu.memref_slice %arg29[%add3A_245] : memref<172800xf32, #tpu.memory_space<vmem_shared>> -> memref<5400xf32, #tpu.memory_space<vmem_shared>>
        %dma_wait3A_267 = arith.constant 0 : i32
        %dma_wait3A_268 = tpu.memref_slice %arg25[%dma_wait3A_267] : memref<5408xf32, #tpu.memory_space<vmem>> -> memref<5400xf32, #tpu.memory_space<vmem>>
        %dma_wait3A_269 = tpu.memref_slice %arg29[%add3A_245] : memref<172800xf32, #tpu.memory_space<vmem_shared>> -> memref<5400xf32, #tpu.memory_space<vmem_shared>>
        tpu.wait_dma2 semaphore(%run_scoped3A : memref<!tpu.dma_semaphore, #tpu.memory_space<semaphore_mem>>) src(%dma_wait3A_269 : memref<5400xf32, #tpu.memory_space<vmem_shared>>) dst(%dma_wait3A_268 : memref<5400xf32, #tpu.memory_space<vmem>>)
        tpu.yield
      }) : () -> ()
      "tpu.region"() ({
        %run_scoped3A = tpu.sem_alloc : memref<!tpu.dma_semaphore, #tpu.memory_space<semaphore_mem>>
        %dma_start3A_258 = arith.constant 0 : i32
        %dma_start3A_259 = tpu.memref_slice %arg25[%dma_start3A_258] : memref<5408xf32, #tpu.memory_space<vmem>> -> memref<5400xf32, #tpu.memory_space<vmem>>
        %dma_start3A_260 = tpu.memref_slice %arg11[%add3A_245] : memref<172800xf32, #tpu.memory_space<hbm>> -> memref<5400xf32, #tpu.memory_space<hbm>>
        %dma_start3A_261 = tpu.memref_slice %arg11[%add3A_245] : memref<172800xf32, #tpu.memory_space<hbm>> -> memref<5400xf32, #tpu.memory_space<hbm>>
        %dma_start3A_262 = arith.constant 0 : i32
        %dma_start3A_263 = tpu.memref_slice %arg25[%dma_start3A_262] : memref<5408xf32, #tpu.memory_space<vmem>> -> memref<5400xf32, #tpu.memory_space<vmem>>
        tpu.enqueue_dma source(%dma_start3A_263 : memref<5400xf32, #tpu.memory_space<vmem>>) target(%dma_start3A_261 : memref<5400xf32, #tpu.memory_space<hbm>>) target_semaphore(%run_scoped3A : memref<!tpu.dma_semaphore, #tpu.memory_space<semaphore_mem>>)
        %dma_wait3A_264 = arith.constant 0 : i32
        %dma_wait3A_265 = tpu.memref_slice %arg25[%dma_wait3A_264] : memref<5408xf32, #tpu.memory_space<vmem>> -> memref<5400xf32, #tpu.memory_space<vmem>>
        %dma_wait3A_266 = tpu.memref_slice %arg11[%add3A_245] : memref<172800xf32, #tpu.memory_space<hbm>> -> memref<5400xf32, #tpu.memory_space<hbm>>
        %dma_wait3A_267 = tpu.memref_slice %arg11[%add3A_245] : memref<172800xf32, #tpu.memory_space<hbm>> -> memref<5400xf32, #tpu.memory_space<hbm>>
        %dma_wait3A_268 = arith.constant 0 : i32
        %dma_wait3A_269 = tpu.memref_slice %arg25[%dma_wait3A_268] : memref<5408xf32, #tpu.memory_space<vmem>> -> memref<5400xf32, #tpu.memory_space<vmem>>
        tpu.wait_dma2 semaphore(%run_scoped3A : memref<!tpu.dma_semaphore, #tpu.memory_space<semaphore_mem>>) src(%dma_wait3A_269 : memref<5400xf32, #tpu.memory_space<vmem>>) dst(%dma_wait3A_267 : memref<5400xf32, #tpu.memory_space<hbm>>)
        tpu.yield
      }) : () -> ()
      %mul3A_246 = arith.constant 10800 : i32
      %mul3A_247 = arith.muli %arg1, %mul3A_246 : i32
      %add3A_248 = arith.constant 5400 : i32
      %add3A_249 = arith.addi %mul3A_247, %add3A_248 : i32
      "tpu.region"() ({
        %run_scoped3A = tpu.sem_alloc : memref<!tpu.dma_semaphore, #tpu.memory_space<semaphore_mem>>
        %dma_start3A_258 = arith.constant 0 : i32
        %dma_start3A_259 = tpu.memref_slice %arg25[%dma_start3A_258] : memref<5408xf32, #tpu.memory_space<vmem>> -> memref<5400xf32, #tpu.memory_space<vmem>>
        %dma_start3A_260 = tpu.memref_slice %arg29[%add3A_249] : memref<172800xf32, #tpu.memory_space<vmem_shared>> -> memref<5400xf32, #tpu.memory_space<vmem_shared>>
        %dma_start3A_261 = arith.constant 0 : i32
        %dma_start3A_262 = tpu.memref_slice %arg25[%dma_start3A_261] : memref<5408xf32, #tpu.memory_space<vmem>> -> memref<5400xf32, #tpu.memory_space<vmem>>
        %dma_start3A_263 = tpu.memref_slice %arg29[%add3A_249] : memref<172800xf32, #tpu.memory_space<vmem_shared>> -> memref<5400xf32, #tpu.memory_space<vmem_shared>>
        tpu.enqueue_dma source(%dma_start3A_263 : memref<5400xf32, #tpu.memory_space<vmem_shared>>) target(%dma_start3A_262 : memref<5400xf32, #tpu.memory_space<vmem>>) target_semaphore(%run_scoped3A : memref<!tpu.dma_semaphore, #tpu.memory_space<semaphore_mem>>)
        %dma_wait3A_264 = arith.constant 0 : i32
        %dma_wait3A_265 = tpu.memref_slice %arg25[%dma_wait3A_264] : memref<5408xf32, #tpu.memory_space<vmem>> -> memref<5400xf32, #tpu.memory_space<vmem>>
        %dma_wait3A_266 = tpu.memref_slice %arg29[%add3A_249] : memref<172800xf32, #tpu.memory_space<vmem_shared>> -> memref<5400xf32, #tpu.memory_space<vmem_shared>>
        %dma_wait3A_267 = arith.constant 0 : i32
        %dma_wait3A_268 = tpu.memref_slice %arg25[%dma_wait3A_267] : memref<5408xf32, #tpu.memory_space<vmem>> -> memref<5400xf32, #tpu.memory_space<vmem>>
        %dma_wait3A_269 = tpu.memref_slice %arg29[%add3A_249] : memref<172800xf32, #tpu.memory_space<vmem_shared>> -> memref<5400xf32, #tpu.memory_space<vmem_shared>>
        tpu.wait_dma2 semaphore(%run_scoped3A : memref<!tpu.dma_semaphore, #tpu.memory_space<semaphore_mem>>) src(%dma_wait3A_269 : memref<5400xf32, #tpu.memory_space<vmem_shared>>) dst(%dma_wait3A_268 : memref<5400xf32, #tpu.memory_space<vmem>>)
        tpu.yield
      }) : () -> ()
      "tpu.region"() ({
        %run_scoped3A = tpu.sem_alloc : memref<!tpu.dma_semaphore, #tpu.memory_space<semaphore_mem>>
        %dma_start3A_258 = arith.constant 0 : i32
        %dma_start3A_259 = tpu.memref_slice %arg25[%dma_start3A_258] : memref<5408xf32, #tpu.memory_space<vmem>> -> memref<5400xf32, #tpu.memory_space<vmem>>
        %dma_start3A_260 = tpu.memref_slice %arg11[%add3A_249] : memref<172800xf32, #tpu.memory_space<hbm>> -> memref<5400xf32, #tpu.memory_space<hbm>>
        %dma_start3A_261 = tpu.memref_slice %arg11[%add3A_249] : memref<172800xf32, #tpu.memory_space<hbm>> -> memref<5400xf32, #tpu.memory_space<hbm>>
        %dma_start3A_262 = arith.constant 0 : i32
        %dma_start3A_263 = tpu.memref_slice %arg25[%dma_start3A_262] : memref<5408xf32, #tpu.memory_space<vmem>> -> memref<5400xf32, #tpu.memory_space<vmem>>
        tpu.enqueue_dma source(%dma_start3A_263 : memref<5400xf32, #tpu.memory_space<vmem>>) target(%dma_start3A_261 : memref<5400xf32, #tpu.memory_space<hbm>>) target_semaphore(%run_scoped3A : memref<!tpu.dma_semaphore, #tpu.memory_space<semaphore_mem>>)
        %dma_wait3A_264 = arith.constant 0 : i32
        %dma_wait3A_265 = tpu.memref_slice %arg25[%dma_wait3A_264] : memref<5408xf32, #tpu.memory_space<vmem>> -> memref<5400xf32, #tpu.memory_space<vmem>>
        %dma_wait3A_266 = tpu.memref_slice %arg11[%add3A_249] : memref<172800xf32, #tpu.memory_space<hbm>> -> memref<5400xf32, #tpu.memory_space<hbm>>
        %dma_wait3A_267 = tpu.memref_slice %arg11[%add3A_249] : memref<172800xf32, #tpu.memory_space<hbm>> -> memref<5400xf32, #tpu.memory_space<hbm>>
        %dma_wait3A_268 = arith.constant 0 : i32
        %dma_wait3A_269 = tpu.memref_slice %arg25[%dma_wait3A_268] : memref<5408xf32, #tpu.memory_space<vmem>> -> memref<5400xf32, #tpu.memory_space<vmem>>
        tpu.wait_dma2 semaphore(%run_scoped3A : memref<!tpu.dma_semaphore, #tpu.memory_space<semaphore_mem>>) src(%dma_wait3A_269 : memref<5400xf32, #tpu.memory_space<vmem>>) dst(%dma_wait3A_267 : memref<5400xf32, #tpu.memory_space<hbm>>)
        tpu.yield
      }) : () -> ()
      %mul3A_250 = arith.constant 10800 : i32
      %mul3A_251 = arith.muli %arg1, %mul3A_250 : i32
      %add3A_252 = arith.constant 0 : i32
      %add3A_253 = arith.addi %mul3A_251, %add3A_252 : i32
      "tpu.region"() ({
        %run_scoped3A = tpu.sem_alloc : memref<!tpu.dma_semaphore, #tpu.memory_space<semaphore_mem>>
        %dma_start3A_258 = arith.constant 0 : i32
        %dma_start3A_259 = tpu.memref_slice %arg25[%dma_start3A_258] : memref<5408xf32, #tpu.memory_space<vmem>> -> memref<5400xf32, #tpu.memory_space<vmem>>
        %dma_start3A_260 = tpu.memref_slice %arg30[%add3A_253] : memref<172800xf32, #tpu.memory_space<vmem_shared>> -> memref<5400xf32, #tpu.memory_space<vmem_shared>>
        %dma_start3A_261 = arith.constant 0 : i32
        %dma_start3A_262 = tpu.memref_slice %arg25[%dma_start3A_261] : memref<5408xf32, #tpu.memory_space<vmem>> -> memref<5400xf32, #tpu.memory_space<vmem>>
        %dma_start3A_263 = tpu.memref_slice %arg30[%add3A_253] : memref<172800xf32, #tpu.memory_space<vmem_shared>> -> memref<5400xf32, #tpu.memory_space<vmem_shared>>
        tpu.enqueue_dma source(%dma_start3A_263 : memref<5400xf32, #tpu.memory_space<vmem_shared>>) target(%dma_start3A_262 : memref<5400xf32, #tpu.memory_space<vmem>>) target_semaphore(%run_scoped3A : memref<!tpu.dma_semaphore, #tpu.memory_space<semaphore_mem>>)
        %dma_wait3A_264 = arith.constant 0 : i32
        %dma_wait3A_265 = tpu.memref_slice %arg25[%dma_wait3A_264] : memref<5408xf32, #tpu.memory_space<vmem>> -> memref<5400xf32, #tpu.memory_space<vmem>>
        %dma_wait3A_266 = tpu.memref_slice %arg30[%add3A_253] : memref<172800xf32, #tpu.memory_space<vmem_shared>> -> memref<5400xf32, #tpu.memory_space<vmem_shared>>
        %dma_wait3A_267 = arith.constant 0 : i32
        %dma_wait3A_268 = tpu.memref_slice %arg25[%dma_wait3A_267] : memref<5408xf32, #tpu.memory_space<vmem>> -> memref<5400xf32, #tpu.memory_space<vmem>>
        %dma_wait3A_269 = tpu.memref_slice %arg30[%add3A_253] : memref<172800xf32, #tpu.memory_space<vmem_shared>> -> memref<5400xf32, #tpu.memory_space<vmem_shared>>
        tpu.wait_dma2 semaphore(%run_scoped3A : memref<!tpu.dma_semaphore, #tpu.memory_space<semaphore_mem>>) src(%dma_wait3A_269 : memref<5400xf32, #tpu.memory_space<vmem_shared>>) dst(%dma_wait3A_268 : memref<5400xf32, #tpu.memory_space<vmem>>)
        tpu.yield
      }) : () -> ()
      "tpu.region"() ({
        %run_scoped3A = tpu.sem_alloc : memref<!tpu.dma_semaphore, #tpu.memory_space<semaphore_mem>>
        %dma_start3A_258 = arith.constant 0 : i32
        %dma_start3A_259 = tpu.memref_slice %arg25[%dma_start3A_258] : memref<5408xf32, #tpu.memory_space<vmem>> -> memref<5400xf32, #tpu.memory_space<vmem>>
        %dma_start3A_260 = tpu.memref_slice %arg12[%add3A_253] : memref<172800xf32, #tpu.memory_space<hbm>> -> memref<5400xf32, #tpu.memory_space<hbm>>
        %dma_start3A_261 = tpu.memref_slice %arg12[%add3A_253] : memref<172800xf32, #tpu.memory_space<hbm>> -> memref<5400xf32, #tpu.memory_space<hbm>>
        %dma_start3A_262 = arith.constant 0 : i32
        %dma_start3A_263 = tpu.memref_slice %arg25[%dma_start3A_262] : memref<5408xf32, #tpu.memory_space<vmem>> -> memref<5400xf32, #tpu.memory_space<vmem>>
        tpu.enqueue_dma source(%dma_start3A_263 : memref<5400xf32, #tpu.memory_space<vmem>>) target(%dma_start3A_261 : memref<5400xf32, #tpu.memory_space<hbm>>) target_semaphore(%run_scoped3A : memref<!tpu.dma_semaphore, #tpu.memory_space<semaphore_mem>>)
        %dma_wait3A_264 = arith.constant 0 : i32
        %dma_wait3A_265 = tpu.memref_slice %arg25[%dma_wait3A_264] : memref<5408xf32, #tpu.memory_space<vmem>> -> memref<5400xf32, #tpu.memory_space<vmem>>
        %dma_wait3A_266 = tpu.memref_slice %arg12[%add3A_253] : memref<172800xf32, #tpu.memory_space<hbm>> -> memref<5400xf32, #tpu.memory_space<hbm>>
        %dma_wait3A_267 = tpu.memref_slice %arg12[%add3A_253] : memref<172800xf32, #tpu.memory_space<hbm>> -> memref<5400xf32, #tpu.memory_space<hbm>>
        %dma_wait3A_268 = arith.constant 0 : i32
        %dma_wait3A_269 = tpu.memref_slice %arg25[%dma_wait3A_268] : memref<5408xf32, #tpu.memory_space<vmem>> -> memref<5400xf32, #tpu.memory_space<vmem>>
        tpu.wait_dma2 semaphore(%run_scoped3A : memref<!tpu.dma_semaphore, #tpu.memory_space<semaphore_mem>>) src(%dma_wait3A_269 : memref<5400xf32, #tpu.memory_space<vmem>>) dst(%dma_wait3A_267 : memref<5400xf32, #tpu.memory_space<hbm>>)
        tpu.yield
      }) : () -> ()
      %mul3A_254 = arith.constant 10800 : i32
      %mul3A_255 = arith.muli %arg1, %mul3A_254 : i32
      %add3A_256 = arith.constant 5400 : i32
      %add3A_257 = arith.addi %mul3A_255, %add3A_256 : i32
      "tpu.region"() ({
        %run_scoped3A = tpu.sem_alloc : memref<!tpu.dma_semaphore, #tpu.memory_space<semaphore_mem>>
        %dma_start3A_258 = arith.constant 0 : i32
        %dma_start3A_259 = tpu.memref_slice %arg25[%dma_start3A_258] : memref<5408xf32, #tpu.memory_space<vmem>> -> memref<5400xf32, #tpu.memory_space<vmem>>
        %dma_start3A_260 = tpu.memref_slice %arg30[%add3A_257] : memref<172800xf32, #tpu.memory_space<vmem_shared>> -> memref<5400xf32, #tpu.memory_space<vmem_shared>>
        %dma_start3A_261 = arith.constant 0 : i32
        %dma_start3A_262 = tpu.memref_slice %arg25[%dma_start3A_261] : memref<5408xf32, #tpu.memory_space<vmem>> -> memref<5400xf32, #tpu.memory_space<vmem>>
        %dma_start3A_263 = tpu.memref_slice %arg30[%add3A_257] : memref<172800xf32, #tpu.memory_space<vmem_shared>> -> memref<5400xf32, #tpu.memory_space<vmem_shared>>
        tpu.enqueue_dma source(%dma_start3A_263 : memref<5400xf32, #tpu.memory_space<vmem_shared>>) target(%dma_start3A_262 : memref<5400xf32, #tpu.memory_space<vmem>>) target_semaphore(%run_scoped3A : memref<!tpu.dma_semaphore, #tpu.memory_space<semaphore_mem>>)
        %dma_wait3A_264 = arith.constant 0 : i32
        %dma_wait3A_265 = tpu.memref_slice %arg25[%dma_wait3A_264] : memref<5408xf32, #tpu.memory_space<vmem>> -> memref<5400xf32, #tpu.memory_space<vmem>>
        %dma_wait3A_266 = tpu.memref_slice %arg30[%add3A_257] : memref<172800xf32, #tpu.memory_space<vmem_shared>> -> memref<5400xf32, #tpu.memory_space<vmem_shared>>
        %dma_wait3A_267 = arith.constant 0 : i32
        %dma_wait3A_268 = tpu.memref_slice %arg25[%dma_wait3A_267] : memref<5408xf32, #tpu.memory_space<vmem>> -> memref<5400xf32, #tpu.memory_space<vmem>>
        %dma_wait3A_269 = tpu.memref_slice %arg30[%add3A_257] : memref<172800xf32, #tpu.memory_space<vmem_shared>> -> memref<5400xf32, #tpu.memory_space<vmem_shared>>
        tpu.wait_dma2 semaphore(%run_scoped3A : memref<!tpu.dma_semaphore, #tpu.memory_space<semaphore_mem>>) src(%dma_wait3A_269 : memref<5400xf32, #tpu.memory_space<vmem_shared>>) dst(%dma_wait3A_268 : memref<5400xf32, #tpu.memory_space<vmem>>)
        tpu.yield
      }) : () -> ()
      "tpu.region"() ({
        %run_scoped3A = tpu.sem_alloc : memref<!tpu.dma_semaphore, #tpu.memory_space<semaphore_mem>>
        %dma_start3A_258 = arith.constant 0 : i32
        %dma_start3A_259 = tpu.memref_slice %arg25[%dma_start3A_258] : memref<5408xf32, #tpu.memory_space<vmem>> -> memref<5400xf32, #tpu.memory_space<vmem>>
        %dma_start3A_260 = tpu.memref_slice %arg12[%add3A_257] : memref<172800xf32, #tpu.memory_space<hbm>> -> memref<5400xf32, #tpu.memory_space<hbm>>
        %dma_start3A_261 = tpu.memref_slice %arg12[%add3A_257] : memref<172800xf32, #tpu.memory_space<hbm>> -> memref<5400xf32, #tpu.memory_space<hbm>>
        %dma_start3A_262 = arith.constant 0 : i32
        %dma_start3A_263 = tpu.memref_slice %arg25[%dma_start3A_262] : memref<5408xf32, #tpu.memory_space<vmem>> -> memref<5400xf32, #tpu.memory_space<vmem>>
        tpu.enqueue_dma source(%dma_start3A_263 : memref<5400xf32, #tpu.memory_space<vmem>>) target(%dma_start3A_261 : memref<5400xf32, #tpu.memory_space<hbm>>) target_semaphore(%run_scoped3A : memref<!tpu.dma_semaphore, #tpu.memory_space<semaphore_mem>>)
        %dma_wait3A_264 = arith.constant 0 : i32
        %dma_wait3A_265 = tpu.memref_slice %arg25[%dma_wait3A_264] : memref<5408xf32, #tpu.memory_space<vmem>> -> memref<5400xf32, #tpu.memory_space<vmem>>
        %dma_wait3A_266 = tpu.memref_slice %arg12[%add3A_257] : memref<172800xf32, #tpu.memory_space<hbm>> -> memref<5400xf32, #tpu.memory_space<hbm>>
        %dma_wait3A_267 = tpu.memref_slice %arg12[%add3A_257] : memref<172800xf32, #tpu.memory_space<hbm>> -> memref<5400xf32, #tpu.memory_space<hbm>>
        %dma_wait3A_268 = arith.constant 0 : i32
        %dma_wait3A_269 = tpu.memref_slice %arg25[%dma_wait3A_268] : memref<5408xf32, #tpu.memory_space<vmem>> -> memref<5400xf32, #tpu.memory_space<vmem>>
        tpu.wait_dma2 semaphore(%run_scoped3A : memref<!tpu.dma_semaphore, #tpu.memory_space<semaphore_mem>>) src(%dma_wait3A_269 : memref<5400xf32, #tpu.memory_space<vmem>>) dst(%dma_wait3A_267 : memref<5400xf32, #tpu.memory_space<hbm>>)
        tpu.yield
      }) : () -> ()
    } else {
    }
    "tpu.trace_stop"() : () -> ()
    return
  }
}

module attributes {stable_mosaic.version = 14 : i64} {
  func.func @_pre_body(%arg0: memref<800x128xf32, #tpu.memory_space<vmem>>, %arg1: memref<800x128xf32, #tpu.memory_space<vmem>>, %arg2: memref<800x128xf32, #tpu.memory_space<vmem>>, %arg3: memref<800x128xf32, #tpu.memory_space<vmem>>, %arg4: memref<800x128xf32, #tpu.memory_space<vmem>>, %arg5: memref<800x128xf32, #tpu.memory_space<vmem>>, %arg6: memref<800x128xf32, #tpu.memory_space<vmem>>, %arg7: memref<800x128xf32, #tpu.memory_space<vmem>>, %arg8: memref<800x128xf32, #tpu.memory_space<vmem>>, %arg9: memref<800x128xf32, #tpu.memory_space<vmem>>, %arg10: memref<800x128xf32, #tpu.memory_space<vmem>>, %arg11: memref<800x128xf32, #tpu.memory_space<vmem>>, %arg12: memref<800x128xi32, #tpu.memory_space<vmem>>) attributes {dimension_semantics = [], scalar_prefetch = 0 : i64, scratch_operands = 0 : i64, tpu.core_type = #tpu.core_type<tc>} {
    %get3A = arith.constant 0 : index
    %get3A_0 = arith.constant 0 : index
    %get3A_1 = vector.load %arg3[%get3A, %get3A_0] : memref<800x128xf32, #tpu.memory_space<vmem>>, vector<800x128xf32>
    %neg3A = arith.constant 0.000000e+00 : f32
    %neg3A_2 = vector.broadcast %neg3A : f32 to vector<800x128xf32>
    %neg3A_3 = arith.subf %neg3A_2, %get3A_1 : vector<800x128xf32>
    %exp3A = math.exp %neg3A_3 : vector<800x128xf32>
    %add3A = arith.constant 1.000000e+00 : f32
    %add3A_4 = vector.broadcast %add3A : f32 to vector<800x128xf32>
    %add3A_5 = arith.addf %add3A_4, %exp3A : vector<800x128xf32>
    %div3A = arith.constant 1.000000e+00 : f32
    %div3A_6 = vector.broadcast %div3A : f32 to vector<800x128xf32>
    %div3A_7 = arith.divf %div3A_6, %add3A_5 : vector<800x128xf32>
    %get3A_8 = arith.constant 0 : index
    %get3A_9 = arith.constant 0 : index
    %get3A_10 = vector.load %arg4[%get3A_8, %get3A_9] : memref<800x128xf32, #tpu.memory_space<vmem>>, vector<800x128xf32>
    %max3A = arith.constant 0.000000e+00 : f32
    %max3A_11 = vector.broadcast %max3A : f32 to vector<800x128xf32>
    %max3A_12 = arith.maximumf %get3A_10, %max3A_11 : vector<800x128xf32>
    %abs3A = math.absf %get3A_10 : vector<800x128xf32>
    %neg3A_13 = arith.constant 0.000000e+00 : f32
    %neg3A_14 = vector.broadcast %neg3A_13 : f32 to vector<800x128xf32>
    %neg3A_15 = arith.subf %neg3A_14, %abs3A : vector<800x128xf32>
    %exp3A_16 = math.exp %neg3A_15 : vector<800x128xf32>
    %add3A_17 = arith.constant 1.000000e+00 : f32
    %add3A_18 = vector.broadcast %add3A_17 : f32 to vector<800x128xf32>
    %add3A_19 = arith.addf %add3A_18, %exp3A_16 : vector<800x128xf32>
    %log3A = math.log %add3A_19 : vector<800x128xf32>
    %add3A_20 = arith.addf %max3A_12, %log3A : vector<800x128xf32>
    %iota3A = tpu.iota {dimensions = array<i32: 0>} : vector<800x128xi32>
    %iota3A_21 = tpu.iota {dimensions = array<i32: 1>} : vector<800x128xi32>
    %mul3A = arith.constant 128 : i32
    %mul3A_22 = vector.broadcast %mul3A : i32 to vector<800x128xi32>
    %mul3A_23 = arith.muli %iota3A, %mul3A_22 : vector<800x128xi32>
    %add3A_24 = arith.addi %mul3A_23, %iota3A_21 : vector<800x128xi32>
    %lt3A = arith.constant 100000 : i32
    %lt3A_25 = vector.broadcast %lt3A : i32 to vector<800x128xi32>
    %lt3A_26 = arith.cmpi slt, %add3A_24, %lt3A_25 : vector<800x128xi32>
    %jit3A = arith.constant 0.000000e+00 : f32
    %broadcast_in_dim3A = vector.broadcast %jit3A : f32 to vector<800x128xf32>
    %select_n3A = arith.select %lt3A_26, %div3A_7, %broadcast_in_dim3A : vector<800x128xi1>, vector<800x128xf32>
    %get3A_27 = arith.constant 0 : index
    %get3A_28 = arith.constant 0 : index
    %get3A_29 = vector.load %arg5[%get3A_27, %get3A_28] : memref<800x128xf32, #tpu.memory_space<vmem>>, vector<800x128xf32>
    %mul3A_30 = arith.constant 4.800000e+02 : f32
    %mul3A_31 = vector.broadcast %mul3A_30 : f32 to vector<800x128xf32>
    %mul3A_32 = arith.mulf %get3A_29, %mul3A_31 : vector<800x128xf32>
    %floor3A = math.floor %mul3A_32 : vector<800x128xf32>
    %jit3A_33 = arith.constant 0.000000e+00 : f32
    %jit3A_34 = arith.constant 479 : i32
    %max3A_35 = vector.broadcast %jit3A_33 : f32 to vector<800x128xf32>
    %max3A_36 = arith.maximumf %max3A_35, %floor3A : vector<800x128xf32>
    %convert_element_type3A = arith.sitofp %jit3A_34 : i32 to f32
    %min3A = vector.broadcast %convert_element_type3A : f32 to vector<800x128xf32>
    %min3A_37 = arith.minimumf %min3A, %max3A_36 : vector<800x128xf32>
    %get3A_38 = arith.constant 0 : index
    %get3A_39 = arith.constant 0 : index
    %get3A_40 = vector.load %arg6[%get3A_38, %get3A_39] : memref<800x128xf32, #tpu.memory_space<vmem>>, vector<800x128xf32>
    %mul3A_41 = arith.constant 3.600000e+02 : f32
    %mul3A_42 = vector.broadcast %mul3A_41 : f32 to vector<800x128xf32>
    %mul3A_43 = arith.mulf %get3A_40, %mul3A_42 : vector<800x128xf32>
    %floor3A_44 = math.floor %mul3A_43 : vector<800x128xf32>
    %jit3A_45 = arith.constant 0.000000e+00 : f32
    %jit3A_46 = arith.constant 359 : i32
    %max3A_47 = vector.broadcast %jit3A_45 : f32 to vector<800x128xf32>
    %max3A_48 = arith.maximumf %max3A_47, %floor3A_44 : vector<800x128xf32>
    %convert_element_type3A_49 = arith.sitofp %jit3A_46 : i32 to f32
    %min3A_50 = vector.broadcast %convert_element_type3A_49 : f32 to vector<800x128xf32>
    %min3A_51 = arith.minimumf %min3A_50, %max3A_48 : vector<800x128xf32>
    %mul3A_52 = arith.constant 4.800000e+02 : f32
    %mul3A_53 = vector.broadcast %mul3A_52 : f32 to vector<800x128xf32>
    %mul3A_54 = arith.mulf %min3A_51, %mul3A_53 : vector<800x128xf32>
    %add3A_55 = arith.addf %mul3A_54, %min3A_37 : vector<800x128xf32>
    %convert_element_type3A_56 = arith.fptosi %add3A_55 : vector<800x128xf32> to vector<800x128xi32>
    %mul3A_57 = arith.constant 128 : i32
    %mul3A_58 = vector.broadcast %mul3A_57 : i32 to vector<800x128xi32>
    %mul3A_59 = arith.muli %iota3A, %mul3A_58 : vector<800x128xi32>
    %add3A_60 = arith.addi %mul3A_59, %iota3A_21 : vector<800x128xi32>
    %select_n3A_61 = arith.select %lt3A_26, %convert_element_type3A_56, %add3A_60 : vector<800x128xi1>, vector<800x128xi32>
    %swap3A = arith.constant 0 : index
    %swap3A_62 = arith.constant 0 : index
    %swap3A_63 = vector.load %arg12[%swap3A, %swap3A_62] : memref<800x128xi32, #tpu.memory_space<vmem>>, vector<800x128xi32>
    tpu.vector_store %arg12[%swap3A, %swap3A_62], %select_n3A_61 {strides = array<i32>} : memref<800x128xi32, #tpu.memory_space<vmem>>, vector<800x128xi32>,
    %get3A_64 = arith.constant 0 : index
    %get3A_65 = arith.constant 0 : index
    %get3A_66 = vector.load %arg0[%get3A_64, %get3A_65] : memref<800x128xf32, #tpu.memory_space<vmem>>, vector<800x128xf32>
    %mul3A_67 = arith.mulf %get3A_66, %select_n3A : vector<800x128xf32>
    %swap3A_68 = arith.constant 0 : index
    %swap3A_69 = arith.constant 0 : index
    %swap3A_70 = vector.load %arg7[%swap3A_68, %swap3A_69] : memref<800x128xf32, #tpu.memory_space<vmem>>, vector<800x128xf32>
    tpu.vector_store %arg7[%swap3A_68, %swap3A_69], %mul3A_67 {strides = array<i32>} : memref<800x128xf32, #tpu.memory_space<vmem>>, vector<800x128xf32>,
    %get3A_71 = arith.constant 0 : index
    %get3A_72 = arith.constant 0 : index
    %get3A_73 = vector.load %arg1[%get3A_71, %get3A_72] : memref<800x128xf32, #tpu.memory_space<vmem>>, vector<800x128xf32>
    %mul3A_74 = arith.mulf %get3A_73, %select_n3A : vector<800x128xf32>
    %swap3A_75 = arith.constant 0 : index
    %swap3A_76 = arith.constant 0 : index
    %swap3A_77 = vector.load %arg8[%swap3A_75, %swap3A_76] : memref<800x128xf32, #tpu.memory_space<vmem>>, vector<800x128xf32>
    tpu.vector_store %arg8[%swap3A_75, %swap3A_76], %mul3A_74 {strides = array<i32>} : memref<800x128xf32, #tpu.memory_space<vmem>>, vector<800x128xf32>,
    %get3A_78 = arith.constant 0 : index
    %get3A_79 = arith.constant 0 : index
    %get3A_80 = vector.load %arg2[%get3A_78, %get3A_79] : memref<800x128xf32, #tpu.memory_space<vmem>>, vector<800x128xf32>
    %mul3A_81 = arith.mulf %get3A_80, %select_n3A : vector<800x128xf32>
    %swap3A_82 = arith.constant 0 : index
    %swap3A_83 = arith.constant 0 : index
    %swap3A_84 = vector.load %arg9[%swap3A_82, %swap3A_83] : memref<800x128xf32, #tpu.memory_space<vmem>>, vector<800x128xf32>
    tpu.vector_store %arg9[%swap3A_82, %swap3A_83], %mul3A_81 {strides = array<i32>} : memref<800x128xf32, #tpu.memory_space<vmem>>, vector<800x128xf32>,
    %mul3A_85 = arith.mulf %add3A_20, %select_n3A : vector<800x128xf32>
    %swap3A_86 = arith.constant 0 : index
    %swap3A_87 = arith.constant 0 : index
    %swap3A_88 = vector.load %arg10[%swap3A_86, %swap3A_87] : memref<800x128xf32, #tpu.memory_space<vmem>>, vector<800x128xf32>
    tpu.vector_store %arg10[%swap3A_86, %swap3A_87], %mul3A_85 {strides = array<i32>} : memref<800x128xf32, #tpu.memory_space<vmem>>, vector<800x128xf32>,
    %swap3A_89 = arith.constant 0 : index
    %swap3A_90 = arith.constant 0 : index
    %swap3A_91 = vector.load %arg11[%swap3A_89, %swap3A_90] : memref<800x128xf32, #tpu.memory_space<vmem>>, vector<800x128xf32>
    tpu.vector_store %arg11[%swap3A_89, %swap3A_90], %select_n3A {strides = array<i32>} : memref<800x128xf32, #tpu.memory_space<vmem>>, vector<800x128xf32>,
    return
  }
}

</mosaic_0001>

<sc_bundles>
// kernel: kernel.4.cloned.1.call-start
scs
__scs_entry_jumppad:
0x0: {  	(pc) =	sbr.rel $0x88, $3  }
0x1: {  	(tag) =	ssettag $0x0;
	lr =	simm.s32 $0x1  }
0x2: {  	[smem:$0x3F9F] =	sst lr;
	_ =	strace $0xD0000000  }
0x3: {  	_ = 	snop  }
0x4: {  	_ = 	snop  }
0x5: {  	_ = 	snop  }
0x6: {  	_ = 	snop  }
0x7: {  	_ = 	snop  }
__scs_overlays_trampoline_lowered:
0x8: {  	[smem:$0x3FAE] =	sst s0  }
0x9: {  	[smem:$0x3FAF] =	sst s1  }
0xa: {  	[smem:$0x3FB0] =	sst s2  }
0xb: {  	[smem:$0x3FB1] =	sst s3  }
0xc: {  	[smem:$0x3FB2] =	sst s4  }
0xd: {  	[smem:$0x3FB3] =	sst s5  }
0xe: {  	[smem:$0x3FB4] =	sst s6  }
0xf: {  	[smem:$0x3FB5] =	sst s7  }
0x10: {  	[smem:$0x3FB6] =	sst s8  }
0x11: {  	[smem:$0x3FB7] =	sst s9;
	s0 =	simm.s32 @!p0 $0x0  }
0x12: {  	s1 =	sld [smem:$0x3F9D];
	s0 =	simm.s32 @p0 $0x1  }
0x13: {  	[smem:$0x3FB8] =	sst s0;
	s0 =	simm.s32 @!p1 $0x0  }
0x14: {  	s2 =	sld [smem:$0x3F9C];
	s0 =	simm.s32 @p1 $0x1  }
0x15: {  	[smem:$0x3FB9] =	sst s0;
	s0 =	simm.s32 @!p2 $0x0  }
0x16: {  	s3 =	sld [smem:$0x3FDB];
	s0 =	simm.s32 @p2 $0x1  }
0x17: {  	s4 =	simm.s32 $0x1BF5;
	[smem:$0x3FBB] =	sst s0  }
0x18: {  	s0 =	sld [smem:$0x3F9E];
	_ =	swait.ge [sflag:s4], $0x0  }
0x19: {  	s7 =	sld [smem:$0x3F9F]  }
0x1a: {  	s8 =	sadd.s32 $0xFFFFE003, lr  }
0x1b: {  	s9 =	sadd.s32 $0xFFFFFEF7, lr;
	s5 =	simm.s32 $0xFFFFFFFF;
	p2 =	slt.u32 s8, $0xFFFFF086  }
0x1c: {  	p1 =	slt.u32 s9, $0xF7A;
	s5 =	simm.s32 @!p2 $0x0  }
0x1d: {  	s5 =	simm.s32 @p1 $0x1;
	p0 =	seq.s32 s7, s2  }
0x1e: {  	s7 =	smul.u32 @!p0 $0xF7A, s2;
	p2 =	seq.s32 @!p0 s5, $0x0  }
0x1f: {  	s9 =	smul.u32 $0xF7A, s1;
	s8 =	simm.s32 @!p0 $0x1BF5;
	p2 =	por !p2, p0  }
0x20: {  	[sflag:s8] =	ssyncset.s32 @!p0 $0xFFFFF086;
	s6 =	sadd.s32 @!p0 s3, s7;
	s7 =	simm.s32 @!p0 $0x108  }
0x21: {  	s3 =	sadd.s32 s3, s9;
	s6 =	sadd.s32 @!p0 $0x88, s6;
	s7 =	simm.s32 @p2 $0x1082  }
0x22: {  	[simem:s7], [sflag:s8] =	dma.local @!p0 [hbm:s6], $0xF7A  }
0x23: {  	s9 =	sor.u32 $0xD0000000, s2;
	s6 =	simm.s32 $0x108;
	_ =	swait.ge @!p0 [sflag:s8], $0x0  }
0x24: {  	s3 =	sadd.s32 $0x88, s3;
	s6 =	simm.s32 @!p1 $0x1082;
	[sflag:s4] =	ssyncset.s32 $0xFFFFF086  }
0x25: {  	[simem:s6], [sflag:s4] =	dma.local [hbm:s3], $0xF7A  }
0x26: {  	[smem:$0x3F9F] =	sst s1;
	(tag) =	ssettag s2;
	_ =	strace s9  }
0x27: {  	s1 =	sld [smem:$0x3FAF]  }
0x28: {  	s2 =	sld [smem:$0x3FB0]  }
0x29: {  	s4 =	sld [smem:$0x3FB2]  }
0x2a: {  	p0 =	seq.s32 s5, $0x0;
	s5 =	sld [smem:$0x3FB3]  }
0x2b: {  	s6 =	sld [smem:$0x3FB4]  }
0x2c: {  	s7 =	sld [smem:$0x3FB5]  }
0x2d: {  	s3 =	simm.s32 $0x108;
	s8 =	sld [smem:$0x3FB6]  }
0x2e: {  	s3 =	simm.s32 @!p0 $0x1082;
	s9 =	sld [smem:$0x3FB7]  }
0x2f: {  	lr =	sadd.s32 s0, s3;
	s0 =	sld [smem:$0x3FAE]  }
0x30: {  	s3 =	sld [smem:$0x3FB1]  }
0x31: {  	[smem:$0x3FBA] =	sst s10  }
0x32: {  	s10 =	sld [smem:$0x3FB8];
	_ =	sdelay $0x3  }
0x33: {  	p0 =	seq.s32 s10, $0x1;
	s10 =	sld [smem:$0x3FBA];
	_ =	sdelay $0x3  }
0x34: {  	[smem:$0x3FBA] =	sst s10  }
0x35: {  	s10 =	sld [smem:$0x3FB9];
	_ =	sdelay $0x3  }
0x36: {  	p1 =	seq.s32 s10, $0x1;
	s10 =	sld [smem:$0x3FBA];
	_ =	sdelay $0x3  }
0x37: {  	[smem:$0x3FBA] =	sst s10  }
0x38: {  	s10 =	sld [smem:$0x3FBB]  }
0x39: {  	_ = 	snop;
	(pc) =	sbr.ind lr, $3  }
0x3a: {  	_ = 	snop  }
0x3b: {  	_ = 	snop  }
0x3c: {  	p2 =	seq.s32 s10, $0x1;
	s10 =	sld [smem:$0x3FBA]  }
0x3d: {  	_ =	shalt  }
0x3e: {  	_ =	shalt  }
0x3f: {  	_ =	shalt  }
0x40: {  	_ =	shalt  }
0x41: {  	_ =	shalt  }
0x42: {  	_ =	shalt  }
0x43: {  	_ =	shalt  }
0x44: {  	_ =	shalt  }
0x45: {  	_ =	shalt  }
0x46: {  	_ =	shalt  }
0x47: {  	_ =	shalt  }
0x48: {  	_ =	shalt  }
0x49: {  	_ =	shalt  }
0x4a: {  	_ =	shalt  }
0x4b: {  	_ =	shalt  }
0x4c: {  	_ =	shalt  }
0x4d: {  	_ =	shalt  }
0x4e: {  	_ =	shalt  }
0x4f: {  	_ =	shalt  }
0x50: {  	_ =	shalt  }
0x51: {  	_ =	shalt  }
0x52: {  	_ =	shalt  }
0x53: {  	_ =	shalt  }
0x54: {  	_ =	shalt  }
0x55: {  	_ =	shalt  }
0x56: {  	_ =	shalt  }
0x57: {  	_ =	shalt  }
0x58: {  	_ =	shalt  }
0x59: {  	_ =	shalt  }
0x5a: {  	_ =	shalt  }
0x5b: {  	_ =	shalt  }
0x5c: {  	_ =	shalt  }
0x5d: {  	_ =	shalt  }
0x5e: {  	_ =	shalt  }
0x5f: {  	_ =	shalt  }
0x60: {  	_ =	shalt  }
0x61: {  	_ =	shalt  }
0x62: {  	_ =	shalt  }
0x63: {  	_ =	shalt  }
0x64: {  	_ =	shalt  }
0x65: {  	_ =	shalt  }
0x66: {  	_ =	shalt  }
0x67: {  	_ =	shalt  }
0x68: {  	_ =	shalt  }
0x69: {  	_ =	shalt  }
0x6a: {  	_ =	shalt  }
0x6b: {  	_ =	shalt  }
0x6c: {  	_ =	shalt  }
0x6d: {  	_ =	shalt  }
0x6e: {  	_ =	shalt  }
0x6f: {  	_ =	shalt  }
0x70: {  	_ =	shalt  }
0x71: {  	_ =	shalt  }
0x72: {  	_ =	shalt  }
0x73: {  	_ =	shalt  }
0x74: {  	_ =	shalt  }
0x75: {  	_ =	shalt  }
0x76: {  	_ =	shalt  }
0x77: {  	_ =	shalt  }
0x78: {  	_ =	shalt  }
0x79: {  	_ =	shalt  }
0x7a: {  	_ =	shalt  }
0x7b: {  	_ =	shalt  }
0x7c: {  	_ =	shalt  }
0x7d: {  	_ =	shalt  }
0x7e: {  	_ =	shalt  }
0x7f: {  	_ =	shalt  }
0x80: {  	_ =	shalt  }
0x81: {  	_ =	shalt  }
0x82: {  	_ =	shalt  }
0x83: {  	_ =	shalt  }
0x84: {  	_ =	shalt  }
0x85: {  	_ =	shalt  }
0x86: {  	_ =	shalt  }
0x87: {  	_ =	shalt  }
.Lfunc_end0:
.L_simem_size_0:
called_computation_lowered:
.L_overlay_start_0:
0x88: {  	s2 =	sld [smem:$0x3FD9]  }
0x89: {  	s3 =	sld [smem:$0x3FFE];
	_ =	sdelay $0x1  }
0x8a: {  	s1 =	srdreg.scid  }
0x8b: {  	s0 =	sand.u32 $0x1, s1  }
0x8c: {  	s14 =	sshll.u32 s0, $0xA;
	s2 =	sadd.s32 s3, s2  }
0x8d: {  	s2 =	sadd.s32 s2, s14  }
0x8e: {  	[smem:$0x3FC6] =	sst s2  }
0x8f: {  	_ = 	snop  }
0x90: {  	s2 =	sld [smem:$0x3FD0];
	_ =	sdelay $0x2  }
0x91: {  	s15 =	simm.s32 $0xA;
	s4 =	simm.s32 $0x10  }
0x92: {  	[smem:s4], [sflag:s15] =	dma.local [hbm:s2], $0x1  }
0x93: {  	_ =	swait.eq [sflag:s15], $0x1  }
0x94: {  	s16 =	sld [smem:$0x10];
	[sflag:s15] =	ssyncset.done $0x0  }
0x95: {  	s17 =	sld [smem:$0x11];
	[sflag:s15] =	ssyncadd.s32 $0xFFFFFFFF  }
0x96: {  	s18 =	sld [smem:$0x12];
	(tm) =	ssettm $0x1  }
0x97: {  	s5 =	sld [smem:$0x3FFB];
	_ =	sdelay $0x3  }
0x98: {  	_ =	strace s5  }
0x99: {  	s5 =	sld [smem:$0x3FFC];
	_ =	sdelay $0x3  }
0x9a: {  	_ =	strace s5  }
0x9b: {  	s5 =	sld [smem:$0x3FFD];
	_ =	sdelay $0x3  }
0x9c: {  	_ =	strace s5  }
0x9d: {  	_ =	strace $0x8FFFFFFF  }
0x9e: {  	s19 =	sld [smem:$0x3FDB];
	_ =	sdelay $0x1  }
0x9f: {  	s6 =	simm.s32 $_scs_section_size  }
0xa0: {  	s7 =	simm.s32 $_size__tile_overlayer_lowered;
	s8 =	simm.s32 $_tile_overlayer_lowered  }
0xa1: {  	s22 =	simm.s32 $0x1BFF;
	s21 =	sshll.u32 s8, $0x1;
	s5 =	sadd.s32 s6, s19  }
0xa2: {  	s9 =	simm.s32 $0x0;
	s20 =	sshll.u32 s7, $0x1;
	s7 =	sadd.s32 s21, s5  }
0xa3: {  	[timem:s9], [sflag:s22] =	dma.local [hbm:s7], s20  }
0xa4: {  	_ =	swait.ge [sflag:s22], s20  }
0xa5: {  	s6 =	ssub.s32 $0x0, s20;
	[sflag:s22] =	ssyncset.done $0x0  }
0xa6: {  	[sflag:s22] =	ssyncadd.s32 s6;
	_ =	sdelay $0x1  }
0xa7: {  	s23 =	simm.s32 $0x1B8B  }
0xa8: {  	_ =	swait.ge [sflag:s23], $0x1  }
0xa9: {  	[sflag:s23] =	ssyncset.done $0x0  }
0xaa: {  	s25 =	simm.s32 $0x1B8E;
	s24 =	sld [smem:$0x3FFE];
	[sflag:s23] =	ssyncadd.s32 $0xFFFFFFFF  }
0xab: {  	s26 =	simm.s32 $execute0_lowered;
	[smem:$0x3FD2] =	sst s25  }
0xac: {  	s7 =	sshll.u32 s26, $0x1;
	_ =	strace $0x80000046;
	[dreg:$0x1] =	wrdreg $0xFFFFFFFF  }
0xad: {  	s28 =	simm.s32 $_size_execute0_lowered;
	s5 =	sadd.s32 s5, s7;
	[dreg:$0x0] =	wrdreg $0x0  }
0xae: {  	s7 =	sshll.u32 s28, $0x1;
	[dreg:$0x2] =	wrdreg s5  }
0xaf: {  	[dreg:$0x3] =	wrdreg s7  }
0xb0: {  	[dreg:$0x4] =	wrdreg $0xC0  }
0xb1: {  	_ =	task [dreg:s9], $0x5FFFF  }
0xb2: {  	[dreg:$0x1] =	wrdreg $0xFFFFFFFF  }
0xb3: {  	[dreg:$0x0] =	wrdreg $0x60  }
0xb4: {  	[dreg:$0x2] =	wrdreg s24  }
0xb5: {  	[dreg:$0x3] =	wrdreg s18  }
0xb6: {  	[dreg:$0x4] =	wrdreg s17  }
0xb7: {  	[dreg:$0x5] =	wrdreg s16  }
0xb8: {  	[dreg:$0x6] =	wrdreg $0x51800  }
0xb9: {  	[dreg:$0x7] =	wrdreg $0x7BB00  }
0xba: {  	[dreg:$0x8] =	wrdreg $0xA5E00  }
0xbb: {  	[dreg:$0x9] =	wrdreg $0xD0100  }
0xbc: {  	[dreg:$0xa] =	wrdreg $0xFA400  }
0xbd: {  	[dreg:$0xb] =	wrdreg $0x9  }
0xbe: {  	_ =	task.clear_ibuf [dreg:s9], $0xCFFFF;
	_ =	strace $0x90000046  }
0xbf: {  	s29 =	simm.s32 $0x9;
	_ =	strace $0x8000004B  }
0xc0: {  	_ =	swait.ge [sflag:s29], $0x1  }
0xc1: {  	[sflag:s29] =	ssyncadd.s32 $0xFFFFFFFF  }
0xc2: {  	_ =	strace $0x9000004B  }
0xc3: {  	_ =	sfence  }
0xc4: {  	s30 =	sld [smem:$0x0];
	_ =	sdelay $0x2  }
0xc5: {  	s31 =	sshll.u32 s1, $0xD;
	s1 =	sshrl.u32 s1, $0x2  }
0xc6: {  	s3 =	sand.u32 $0x4000, s31;
	s1 =	sadd.s32 s1, s30  }
0xc7: {  	s0 =	sor.u32 s3, s0;
	s1 =	sshll.u32 s1, $0x11  }
0xc8: {  	s0 =	sor.u32 s1, s0  }
0xc9: {  	s0 =	sadd.s32 $0x8F2B, s0  }
0xca: {  	[sflag:s0] =	ssyncadd.remote.s32 $0x1  }
0xcb: {  	_ =	sfence.sel $0xFFFF  }
0xcc: {  	[dreg:$0x0] =	wrdreg $0xFFFFFFFF;
	(pc) =	sbr.abs _section_cstart, $3  }
0xcd: {  	[dreg:$0x1] =	wrdreg $0xFFFFFFFF  }
0xce: {  	_ =	task.clear_ibuf [dreg:s9], $0x2FFFF;
	_ =	strace $0x9FFFFFFF  }
0xcf: {  	(tm) =	ssettm $0x7FFFFFFF  }
tec
execute0_lowered:
.L_overlay_start_1:
0x0: {  	(tag) =	ssettag $0x1  }
0x1: {  	s8 =	rddreg [dreg:$0x0]  }
0x2: {  	s2 =	rddreg [dreg:$0x1]  }
0x3: {  	s18 =	rddreg [dreg:$0x4]  }
0x4: {  	s26 =	rddreg [dreg:$0x5]  }
0x5: {  	s4 =	rddreg [dreg:$0x6]  }
0x6: {  	s5 =	rddreg [dreg:$0x7]  }
0x7: {  	s6 =	rddreg [dreg:$0x8];
	s7 =	simm.s32 $0x0;
	s10 =	srdreg.scid  }
0x8: {  	s17 =	stileid.u32;
	[smem:$0x7FF] =	sst s7  }
0x9: {  	s9 =	sadd.s32 $0x2400, s8;
	s19 =	sadd.s32 $0x5600, s8;
	s31 =	sadd.s32 $0x8800, s8  }
0xa: {  	s0 =	sadd.s32 $0xBA00, s8;
	s10 =	sand.u32 $0x1, s10;
	s11 =	smul.u32 $0x1900, s17  }
0xb: {  	s3 =	sadd.s32 $0xEC00, s8;
	_ =	strace $0x80000047;
	[dreg:$0xc] =	wrdreg s0  }
0xc: {  	s12 =	sadd.s32 $0x11E00, s8;
	s15 =	sadd.s32 $0x15000, s8;
	[dreg:$0xd] =	wrdreg s3  }
0xd: {  	s1 =	sadd.s32 $0x1A600, s8;
	s14 =	ssub.s32 $0x2, s10;
	[dreg:$0xa] =	wrdreg s19  }
0xe: {  	p0 =	sne.s32 s10, $0x0;
	[dreg:$0xb] =	wrdreg s31;
	s16 =	sshrl.u32 s14, $0x1  }
0xf: {  	[dreg:$0xe] =	wrdreg s1;
	s13 =	sshrl.u32 s11, $0x3;
	s8 =	ssub.s32 s14, s16  }
0x10: {  	s11 =	sadd.s32 $0xA0, s13;
	s22 =	sadd.s32 s12, s13;
	s14 =	smul.u32 $0x2A30, s17  }
0x11: {  	s10 =	sadd.s32 $0x140, s13;
	[dreg:$0xf] =	wrdreg s22;
	s23 =	sadd.s32 s12, s11  }
0x12: {  	s16 =	sadd.s32 $0x1E0, s13;
	s24 =	sadd.s32 s12, s10;
	[dreg:$0x10] =	wrdreg s23  }
0x13: {  	s17 =	sadd.s32 $0x280, s13;
	s25 =	sadd.s32 s12, s16;
	[dreg:$0x11] =	wrdreg s24  }
0x14: {  	s12 =	sadd.s32 s12, s17;
	[dreg:$0x12] =	wrdreg s25  }
0x15: {  	[dreg:$0x13] =	wrdreg s12;
	s20 =	sadd.s32 s14, s18  }
0x16: {  	s12 =	sadd.s32 $0x1518, s14;
	s21 =	sadd.s32 s14, s26;
	s22 =	sadd.s32 s14, s4  }
0x17: {  	s23 =	sadd.s32 s14, s5;
	s24 =	sadd.s32 s14, s6;
	s14 =	sshrl.u32 s14, $0x3  }
0x18: {  	s25 =	sadd.s32 s12, s18;
	s29 =	sadd.s32 s12, s5;
	s5 =	sadd.s32 s15, s14  }
0x19: {  	s26 =	sadd.s32 s12, s26;
	s18 =	sadd.s32 s0, s11;
	[dreg:$0x15] =	wrdreg s5  }
0x1a: {  	s28 =	sadd.s32 s12, s4;
	s4 =	sadd.s32 s3, s11;
	[dreg:$0x17] =	wrdreg s18  }
0x1b: {  	s30 =	sadd.s32 s12, s6;
	s12 =	sshrl.u32 s12, $0x3;
	[dreg:$0x18] =	wrdreg s4  }
0x1c: {  	s15 =	sadd.s32 s15, s12;
	[dreg:$0x14] =	wrdreg s12  }
0x1d: {  	s5 =	sadd.s32 s9, s11;
	[dreg:$0x16] =	wrdreg s15  }
0x1e: {  	s18 =	sadd.s32 s19, s11;
	[dreg:$0x19] =	wrdreg s5  }
0x1f: {  	s11 =	sadd.s32 s31, s11;
	[dreg:$0x1a] =	wrdreg s18  }
0x20: {  	s4 =	sadd.s32 s0, s10;
	[dreg:$0x1b] =	wrdreg s11  }
0x21: {  	[dreg:$0x1c] =	wrdreg s4;
	s5 =	sadd.s32 s3, s10  }
0x22: {  	s15 =	sadd.s32 s9, s10;
	[dreg:$0x1d] =	wrdreg s5  }
0x23: {  	s18 =	sadd.s32 s19, s10;
	[dreg:$0x1e] =	wrdreg s15  }
0x24: {  	s10 =	sadd.s32 s31, s10;
	[dreg:$0x1f] =	wrdreg s18  }
0x25: {  	s4 =	sadd.s32 s0, s16;
	[smem:$0x7EB] =	sst s10  }
0x26: {  	s11 =	sadd.s32 s9, s16;
	[smem:$0x7EC] =	sst s4  }
0x27: {  	s0 =	sadd.s32 s0, s17;
	[smem:$0x7EE] =	sst s11  }
0x28: {  	s5 =	sadd.s32 s3, s16;
	[smem:$0x7F3] =	sst s0  }
0x29: {  	s15 =	sadd.s32 s19, s16;
	[smem:$0x7ED] =	sst s5  }
0x2a: {  	s16 =	sadd.s32 s31, s16;
	[smem:$0x7EF] =	sst s15  }
0x2b: {  	s18 =	sadd.s32 s9, s13;
	[smem:$0x7F0] =	sst s16  }
0x2c: {  	s9 =	sadd.s32 s9, s17;
	[smem:$0x7F1] =	sst s18  }
0x2d: {  	s4 =	sadd.s32 s3, s17;
	[smem:$0x7F2] =	sst s9  }
0x2e: {  	s10 =	sadd.s32 s2, s14;
	[smem:$0x7F4] =	sst s4  }
0x2f: {  	s11 =	sadd.s32 s2, s12;
	[smem:$0x7F7] =	sst s10  }
0x30: {  	[smem:$0x7F8] =	sst s11  }
0x31: {  	s15 =	rddreg [dreg:$0x2]  }
0x32: {  	s5 =	sadd.s32 s19, s17;
	s9 =	sadd.s32 s31, s17;
	s19 =	rddreg [dreg:$0x3]  }
0x33: {  	s18 =	sadd.s32 s1, s14;
	s31 =	smax.u32 s8, $0x1;
	[smem:$0x7F5] =	sst s5  }
0x34: {  	s8 =	simm.s32 $0x1900;
	s11 =	simm.s32 $0x1400;
	[smem:$0x7F6] =	sst s9  }
0x35: {  	s1 =	simm.s32 $0x3;
	s16 =	sadd.s32 s15, s14;
	[smem:$0x7FB] =	sst s18  }
.Ltmp0:
0x36: {  	s17 =	sadd.s32 s15, s12;
	[smem:$0x7FD] =	sst s31;
	(pc) =	sbr.rel .LBB2_1-.Ltmp0, $4  }
0x37: {  	s0 =	sadd.s32 s19, s14;
	s14 =	simm.s32 $0x1E00;
	[smem:$0x7F9] =	sst s16  }
0x38: {  	s15 =	simm.s32 $0x3C00;
	s18 =	simm.s32 $0x500;
	[smem:$0x7FA] =	sst s17  }
0x39: {  	s19 =	simm.s32 $0xA00;
	s12 =	simm.s32 $0x0;
	[smem:$0x7FC] =	sst s0  }
0x3a: {  	v0 =	vimm.f32 $0.0e+00;
	s16 =	simm.s32 $0x2;
	s17 =	simm.s32 $0x1;
	s0 =	simm.s32 $0xF00  }
.LBB2_5:
0x3b: {  	s3 =	rddreg [dreg:$0x7]  }
0x3c: {  	[spmem:s3] =	stream.indirect.scatter.add.f32 [tilespmem:s8], [sflag:$0x1], $0x1, s7, s18, $0x2000b8;
	[tilespmem:$0x12470] =	vst v63  }
0x3d: {  	_ = 	snop  }
0x3e: {  	[spmem:s6] =	stream.indirect.scatter.add.f32 [tilespmem:s14], [sflag:$0x1], $0x1, s7, s18, $0x2000b8;
	[tilespmem:$0x12470] =	vst v63  }
0x3f: {  	s2 =	rddreg [dreg:$0x17];
	s4 =	simm.s32 $0x3200  }
0x40: {  	[tilespmem:s4], [sflag:$0x2] =	stream.linear.gather [hbm4b:s2+s7], $0x500, $0x200038;
	[tilespmem:$0x12470] =	vst v63  }
0x41: {  	s9 =	rddreg [dreg:$0x18];
	s5 =	simm.s32 $0x3700  }
0x42: {  	[tilespmem:s5], [sflag:$0x2] =	stream.linear.gather [hbm4b:s9+s7], $0x500, $0x200038;
	[tilespmem:$0x12470] =	vst v63  }
0x43: {  	s10 =	rddreg [dreg:$0x10]  }
0x44: {  	[tilespmem:s18], [sflag:$0x2] =	stream.linear.gather [hbm4b:s10+s7], $0x500, $0x200038;
	[tilespmem:$0x12470] =	vst v63  }
0x45: {  	_ =	swait.ge [sflag:s16], $0x500  }
0x46: {  	[sflag:s16] =	ssyncset.done $0x0  }
0x47: {  	[sflag:s16] =	ssyncadd.s32 $0xFFFFFB00  }
0x48: {  	_ =	swait.ge [sflag:s16], $0x500  }
0x49: {  	[sflag:s16] =	ssyncset.done $0x0  }
0x4a: {  	[sflag:s16] =	ssyncadd.s32 $0xFFFFFB00  }
0x4b: {  	_ =	swait.ge [sflag:s16], $0x500  }
0x4c: {  	[sflag:s16] =	ssyncset.done $0x0  }
0x4d: {  	[sflag:s16] =	ssyncadd.s32 $0xFFFFFB00  }
0x4e: {  	_ =	swait.ge [sflag:s17], $0x500  }
0x4f: {  	[sflag:s17] =	ssyncset.done $0x0  }
0x50: {  	[sflag:s17] =	ssyncadd.s32 $0xFFFFFB00  }
0x51: {  	_ =	swait.ge [sflag:s17], $0x500  }
0x52: {  	[sflag:s17] =	ssyncset.done $0x0  }
0x53: {  	[sflag:s17] =	ssyncadd.s32 $0xFFFFFB00  }
0x54: {  	[spmem:s3] =	stream.indirect.scatter.add.f32 [tilespmem:s4], [sflag:$0x1], $0x1, s18, s18, $0x2000b8;
	[tilespmem:$0x12470] =	vst v63  }
0x55: {  	_ = 	snop  }
0x56: {  	[spmem:s6] =	stream.indirect.scatter.add.f32 [tilespmem:s5], [sflag:$0x1], $0x1, s18, s18, $0x2000b8;
	[tilespmem:$0x12470] =	vst v63  }
0x57: {  	s31 =	rddreg [dreg:$0x1c]  }
0x58: {  	[tilespmem:s8], [sflag:$0x2] =	stream.linear.gather [hbm4b:s31+s7], $0x500, $0x200038;
	[tilespmem:$0x12470] =	vst v63  }
0x59: {  	s9 =	rddreg [dreg:$0x1d]  }
0x5a: {  	[tilespmem:s14], [sflag:$0x2] =	stream.linear.gather [hbm4b:s9+s7], $0x500, $0x200038;
	[tilespmem:$0x12470] =	vst v63  }
0x5b: {  	s10 =	rddreg [dreg:$0x11]  }
0x5c: {  	[tilespmem:s7], [sflag:$0x2] =	stream.linear.gather [hbm4b:s10+s7], $0x500, $0x200038;
	[tilespmem:$0x12470] =	vst v63  }
0x5d: {  	_ =	swait.ge [sflag:s16], $0x500  }
0x5e: {  	[sflag:s16] =	ssyncset.done $0x0  }
0x5f: {  	[sflag:s16] =	ssyncadd.s32 $0xFFFFFB00  }
0x60: {  	_ =	swait.ge [sflag:s16], $0x500  }
0x61: {  	[sflag:s16] =	ssyncset.done $0x0  }
0x62: {  	[sflag:s16] =	ssyncadd.s32 $0xFFFFFB00  }
0x63: {  	_ =	swait.ge [sflag:s16], $0x500  }
0x64: {  	[sflag:s16] =	ssyncset.done $0x0  }
0x65: {  	[sflag:s16] =	ssyncadd.s32 $0xFFFFFB00  }
0x66: {  	_ =	swait.ge [sflag:s17], $0x500  }
0x67: {  	[sflag:s17] =	ssyncset.done $0x0  }
0x68: {  	[sflag:s17] =	ssyncadd.s32 $0xFFFFFB00  }
0x69: {  	_ =	swait.ge [sflag:s17], $0x500  }
0x6a: {  	[sflag:s17] =	ssyncset.done $0x0  }
0x6b: {  	[sflag:s17] =	ssyncadd.s32 $0xFFFFFB00  }
0x6c: {  	[spmem:s3] =	stream.indirect.scatter.add.f32 [tilespmem:s8], [sflag:$0x1], $0x1, s7, s18, $0x2000b8;
	[tilespmem:$0x12470] =	vst v63  }
0x6d: {  	s31 =	sld [smem:$0x7EC]  }
0x6e: {  	[spmem:s6] =	stream.indirect.scatter.add.f32 [tilespmem:s14], [sflag:$0x1], $0x1, s7, s18, $0x2000b8;
	[tilespmem:$0x12470] =	vst v63  }
0x6f: {  	s9 =	sld [smem:$0x7ED]  }
0x70: {  	[tilespmem:s4], [sflag:$0x2] =	stream.linear.gather [hbm4b:s31+s7], $0x500, $0x200038;
	[tilespmem:$0x12470] =	vst v63  }
0x71: {  	_ = 	snop  }
0x72: {  	[tilespmem:s5], [sflag:$0x2] =	stream.linear.gather [hbm4b:s9+s7], $0x500, $0x200038;
	[tilespmem:$0x12470] =	vst v63  }
0x73: {  	s10 =	rddreg [dreg:$0x12]  }
0x74: {  	[tilespmem:s18], [sflag:$0x2] =	stream.linear.gather [hbm4b:s10+s7], $0x500, $0x200038;
	[tilespmem:$0x12470] =	vst v63  }
0x75: {  	_ =	swait.ge [sflag:s16], $0x500  }
0x76: {  	[sflag:s16] =	ssyncset.done $0x0  }
0x77: {  	[sflag:s16] =	ssyncadd.s32 $0xFFFFFB00  }
0x78: {  	_ =	swait.ge [sflag:s16], $0x500  }
0x79: {  	[sflag:s16] =	ssyncset.done $0x0  }
0x7a: {  	[sflag:s16] =	ssyncadd.s32 $0xFFFFFB00  }
0x7b: {  	_ =	swait.ge [sflag:s16], $0x500  }
0x7c: {  	[sflag:s16] =	ssyncset.done $0x0  }
0x7d: {  	[sflag:s16] =	ssyncadd.s32 $0xFFFFFB00  }
0x7e: {  	_ =	swait.ge [sflag:s17], $0x500  }
0x7f: {  	[sflag:s17] =	ssyncset.done $0x0  }
0x80: {  	[sflag:s17] =	ssyncadd.s32 $0xFFFFFB00  }
0x81: {  	_ =	swait.ge [sflag:s17], $0x500  }
0x82: {  	[sflag:s17] =	ssyncset.done $0x0  }
0x83: {  	[sflag:s17] =	ssyncadd.s32 $0xFFFFFB00  }
0x84: {  	[spmem:s3] =	stream.indirect.scatter.add.f32 [tilespmem:s4], [sflag:$0x1], $0x1, s18, s18, $0x2000b8;
	[tilespmem:$0x12470] =	vst v63  }
0x85: {  	s31 =	sld [smem:$0x7F3]  }
0x86: {  	[spmem:s6] =	stream.indirect.scatter.add.f32 [tilespmem:s5], [sflag:$0x1], $0x1, s18, s18, $0x2000b8;
	[tilespmem:$0x12470] =	vst v63  }
0x87: {  	s4 =	sld [smem:$0x7F4]  }
0x88: {  	[tilespmem:s8], [sflag:$0x2] =	stream.linear.gather [hbm4b:s31+s7], $0x500, $0x200038;
	[tilespmem:$0x12470] =	vst v63  }
0x89: {  	_ = 	snop  }
0x8a: {  	[tilespmem:s14], [sflag:$0x2] =	stream.linear.gather [hbm4b:s4+s7], $0x500, $0x200038;
	[tilespmem:$0x12470] =	vst v63  }
0x8b: {  	s5 =	rddreg [dreg:$0x13]  }
0x8c: {  	[tilespmem:s7], [sflag:$0x2] =	stream.linear.gather [hbm4b:s5+s7], $0x500, $0x200038;
	[tilespmem:$0x12470] =	vst v63  }
0x8d: {  	_ =	swait.ge [sflag:s16], $0x500  }
0x8e: {  	[sflag:s16] =	ssyncset.done $0x0  }
0x8f: {  	[sflag:s16] =	ssyncadd.s32 $0xFFFFFB00  }
0x90: {  	_ =	swait.ge [sflag:s16], $0x500  }
0x91: {  	[sflag:s16] =	ssyncset.done $0x0  }
0x92: {  	[sflag:s16] =	ssyncadd.s32 $0xFFFFFB00  }
0x93: {  	_ =	swait.ge [sflag:s16], $0x500  }
0x94: {  	[sflag:s16] =	ssyncset.done $0x0  }
0x95: {  	[sflag:s16] =	ssyncadd.s32 $0xFFFFFB00  }
0x96: {  	_ =	swait.ge [sflag:s17], $0x500  }
0x97: {  	[sflag:s17] =	ssyncset.done $0x0  }
0x98: {  	[sflag:s17] =	ssyncadd.s32 $0xFFFFFB00  }
0x99: {  	_ =	swait.ge [sflag:s17], $0x500  }
0x9a: {  	[sflag:s17] =	ssyncset.done $0x0  }
0x9b: {  	[sflag:s17] =	ssyncadd.s32 $0xFFFFFB00  }
0x9c: {  	[spmem:s3] =	stream.indirect.scatter.add.f32 [tilespmem:s8], [sflag:$0x1], $0x1, s7, s18, $0x2000b8;
	[tilespmem:$0x12470] =	vst v63  }
0x9d: {  	_ = 	snop  }
0x9e: {  	[spmem:s6] =	stream.indirect.scatter.add.f32 [tilespmem:s14], [sflag:$0x1], $0x1, s7, s18, $0x2000b8;
	[tilespmem:$0x12470] =	vst v63  }
0x9f: {  	_ =	swait.ge [sflag:s17], $0x500  }
0xa0: {  	[sflag:s17] =	ssyncset.done $0x0  }
0xa1: {  	[sflag:s17] =	ssyncadd.s32 $0xFFFFFB00  }
0xa2: {  	_ =	swait.ge [sflag:s17], $0x500  }
0xa3: {  	[sflag:s17] =	ssyncset.done $0x0  }
0xa4: {  	[sflag:s17] =	ssyncadd.s32 $0xFFFFFB00  }
0xa5: {  	[bflag:$0x0] =	sbarrier.arrive $0xFFFF  }
0xa6: {  	_ =	strace $0x90000049  }
0xa7: {  	_ =	strace $0x8000004A  }
0xa8: {  	[tilespmem:s15], [sflag:$0x3] =	stream.linear.gather [spmem:s23], $0x1518, $0x200038;
	[tilespmem:$0x12470] =	vst v63  }
0xa9: {  	_ =	swait.ge [sflag:s1], $0x1518  }
0xaa: {  	[sflag:s1] =	ssyncset.done $0x0  }
0xab: {  	s9 =	rddreg [dreg:$0x15];
	[sflag:s1] =	ssyncadd.s32 $0xFFFFEAE8  }
0xac: {  	[hbm4b:s9+s7] =	stream.linear.scatter [tilespmem:s15], [sflag:$0x3], $0x1518, $0x200038;
	[tilespmem:$0x12470] =	vst v63  }
0xad: {  	_ =	swait.ge [sflag:s1], $0x1518  }
0xae: {  	[sflag:s1] =	ssyncset.done $0x0  }
0xaf: {  	[sflag:s1] =	ssyncadd.s32 $0xFFFFEAE8  }
0xb0: {  	[tilespmem:s15], [sflag:$0x3] =	stream.linear.gather [spmem:s29], $0x1518, $0x200038;
	[tilespmem:$0x12470] =	vst v63  }
0xb1: {  	_ =	swait.ge [sflag:s1], $0x1518  }
0xb2: {  	[sflag:s1] =	ssyncset.done $0x0  }
0xb3: {  	s10 =	rddreg [dreg:$0x16];
	[sflag:s1] =	ssyncadd.s32 $0xFFFFEAE8  }
0xb4: {  	[hbm4b:s10+s7] =	stream.linear.scatter [tilespmem:s15], [sflag:$0x3], $0x1518, $0x200038;
	[tilespmem:$0x12470] =	vst v63  }
0xb5: {  	_ =	swait.ge [sflag:s1], $0x1518  }
0xb6: {  	[sflag:s1] =	ssyncset.done $0x0  }
0xb7: {  	[sflag:s1] =	ssyncadd.s32 $0xFFFFEAE8  }
0xb8: {  	[tilespmem:s15], [sflag:$0x3] =	stream.linear.gather [spmem:s24], $0x1518, $0x200038;
	[tilespmem:$0x12470] =	vst v63  }
0xb9: {  	_ =	swait.ge [sflag:s1], $0x1518  }
0xba: {  	s31 =	sld [smem:$0x7FB]  }
0xbb: {  	[sflag:s1] =	ssyncset.done $0x0  }
0xbc: {  	[sflag:s1] =	ssyncadd.s32 $0xFFFFEAE8  }
0xbd: {  	[hbm4b:s31+s7] =	stream.linear.scatter [tilespmem:s15], [sflag:$0x3], $0x1518, $0x200038;
	[tilespmem:$0x12470] =	vst v63  }
0xbe: {  	_ =	swait.ge [sflag:s1], $0x1518  }
0xbf: {  	[sflag:s1] =	ssyncset.done $0x0  }
0xc0: {  	s9 =	rddreg [dreg:$0xe];
	[sflag:s1] =	ssyncadd.s32 $0xFFFFEAE8  }
0xc1: {  	[tilespmem:s15], [sflag:$0x3] =	stream.linear.gather [spmem:s30], $0x1518, $0x200038;
	[tilespmem:$0x12470] =	vst v63  }
.LBB2_6:
0xc2: {  	_ =	swait.ge [sflag:s1], $0x1518  }
0xc3: {  	[sflag:s1] =	ssyncset.done $0x0;
	s2 =	rddreg [dreg:$0x14]  }
0xc4: {  	s2 =	sadd.s32 s9, s2;
	[sflag:s1] =	ssyncadd.s32 $0xFFFFEAE8  }
0xc5: {  	[hbm4b:s2+s7] =	stream.linear.scatter [tilespmem:s15], [sflag:$0x3], $0x1518, $0x200038;
	[tilespmem:$0x12470] =	vst v63  }
0xc6: {  	_ =	swait.ge [sflag:s1], $0x1518  }
0xc7: {  	s31 =	sld [smem:$0x7FD];
	_ =	sdelay $0x1  }
0xc8: {  	s12 =	sadd.s32 $0x1, s12  }
0xc9: {  	p1 =	sne.s32 s12, s31  }
.Ltmp1:
0xca: {  	_ = 	snop;
	(pc) =	sbr.rel @!p1 .LBB2_7-.Ltmp1, $4  }
0xcb: {  	_ = 	snop  }
0xcc: {  	[sflag:s1] =	ssyncset.done $0x0  }
0xcd: {  	[sflag:s1] =	ssyncadd.s32 $0xFFFFEAE8  }
0xce: {  	_ =	strace $0x9000004A  }
.LBB2_1:
0xcf: {  	s2 =	sld [smem:$0x7F1];
	_ =	sdelay $0x1  }
0xd0: {  	s9 =	simm.s32 @!p0 $0x0;
	s31 =	simm.s32 @!p0 $0xA00;
	s3 =	rddreg [dreg:$0xd]  }
0xd1: {  	[tilespmem:s31], [sflag:$0x1] =	stream.linear.gather @!p0 [hbm4b:s2+s9], $0x500, $0x38;
	[tilespmem:$0x12470] =	vst v63  }
0xd2: {  	s9 =	rddreg [dreg:$0xa]  }
0xd3: {  	s10 =	simm.s32 @!p0 $0xF00;
	s2 =	rddreg [dreg:$0xc]  }
0xd4: {  	s10 =	simm.s32 @p0 $0x1900;
	s9 =	smov.u32 @p0 s2;
	s2 =	rddreg [dreg:$0xb]  }
0xd5: {  	s31 =	simm.s32 @!p0 $0x1400;
	s2 =	smov.u32 @p0 s3;
	s9 =	sadd.s32 s9, s13  }
0xd6: {  	[tilespmem:s10], [sflag:$0x1] =	stream.linear.gather [hbm4b:s9+s7], $0x500, $0x38;
	[tilespmem:$0x12470] =	vst v63  }
0xd7: {  	s31 =	simm.s32 @p0 $0x1E00;
	s2 =	sadd.s32 s2, s13  }
0xd8: {  	[tilespmem:s31], [sflag:$0x1] =	stream.linear.gather [hbm4b:s2+s7], $0x500, $0x38;
	[tilespmem:$0x12470] =	vst v63  }
0xd9: {  	s10 =	rddreg [dreg:$0xf]  }
0xda: {  	[tilespmem:s7], [sflag:$0x1] =	stream.linear.gather [hbm4b:s10+s7], $0x500, $0x38;
	[tilespmem:$0x12470] =	vst v63  }
0xdb: {  	s9 =	simm.s32 $0x40;
	s31 =	simm.s32 $0x0;
	_ =	strace $0x80000048  }
.LBB2_2:
0xdc: {  	p1 =	sne.s32 s9, $0x5440;
	[tilespmem:s31+$0x3C00] =	vst v0;
	s2 =	smov.u32 s9;
	s9 =	sadd.s32 $0x40, s9  }
.Ltmp2:
0xdd: {  	(pc) =	sbr.rel @p1 .LBB2_2-.Ltmp2, $2  }
0xde: {  	_ =	sdelay $0x2  }
0xdf: {  	s31 =	sshra.s32 s2, $0x2  }
0xe0: {  	[tilespmem:s31+$0x3C00] =	vst v0  }
0xe1: {  	[spmem:s20] =	stream.linear.scatter [tilespmem:s15], [sflag:$0x2], $0x1518, $0x200038;
	[tilespmem:$0x12470] =	vst v63  }
0xe2: {  	_ = 	snop  }
0xe3: {  	[spmem:s25] =	stream.linear.scatter [tilespmem:s15], [sflag:$0x2], $0x1518, $0x200038;
	[tilespmem:$0x12470] =	vst v63  }
0xe4: {  	_ = 	snop  }
0xe5: {  	[spmem:s21] =	stream.linear.scatter [tilespmem:s15], [sflag:$0x2], $0x1518, $0x200038;
	[tilespmem:$0x12470] =	vst v63  }
0xe6: {  	_ = 	snop  }
0xe7: {  	[spmem:s26] =	stream.linear.scatter [tilespmem:s15], [sflag:$0x2], $0x1518, $0x200038;
	[tilespmem:$0x12470] =	vst v63  }
0xe8: {  	_ = 	snop  }
0xe9: {  	[spmem:s22] =	stream.linear.scatter [tilespmem:s15], [sflag:$0x2], $0x1518, $0x200038;
	[tilespmem:$0x12470] =	vst v63  }
0xea: {  	_ = 	snop  }
0xeb: {  	[spmem:s28] =	stream.linear.scatter [tilespmem:s15], [sflag:$0x2], $0x1518, $0x200038;
	[tilespmem:$0x12470] =	vst v63  }
0xec: {  	_ = 	snop  }
0xed: {  	[spmem:s23] =	stream.linear.scatter [tilespmem:s15], [sflag:$0x2], $0x1518, $0x200038;
	[tilespmem:$0x12470] =	vst v63  }
0xee: {  	_ = 	snop  }
0xef: {  	[spmem:s29] =	stream.linear.scatter [tilespmem:s15], [sflag:$0x2], $0x1518, $0x200038;
	[tilespmem:$0x12470] =	vst v63  }
0xf0: {  	_ = 	snop  }
0xf1: {  	[spmem:s24] =	stream.linear.scatter [tilespmem:s15], [sflag:$0x2], $0x1518, $0x200038;
	[tilespmem:$0x12470] =	vst v63  }
0xf2: {  	_ = 	snop  }
0xf3: {  	[spmem:s30] =	stream.linear.scatter [tilespmem:s15], [sflag:$0x2], $0x1518, $0x200038;
	[tilespmem:$0x12470] =	vst v63  }
0xf4: {  	_ =	swait.ge [sflag:s16], $0x1518  }
0xf5: {  	[sflag:s16] =	ssyncset.done $0x0  }
0xf6: {  	[sflag:s16] =	ssyncadd.s32 $0xFFFFEAE8  }
0xf7: {  	_ =	swait.ge [sflag:s16], $0x1518  }
0xf8: {  	[sflag:s16] =	ssyncset.done $0x0  }
0xf9: {  	[sflag:s16] =	ssyncadd.s32 $0xFFFFEAE8  }
0xfa: {  	_ =	swait.ge [sflag:s16], $0x1518  }
0xfb: {  	[sflag:s16] =	ssyncset.done $0x0  }
0xfc: {  	[sflag:s16] =	ssyncadd.s32 $0xFFFFEAE8  }
0xfd: {  	_ =	swait.ge [sflag:s16], $0x1518  }
0xfe: {  	[sflag:s16] =	ssyncset.done $0x0  }
0xff: {  	[sflag:s16] =	ssyncadd.s32 $0xFFFFEAE8  }
0x100: {  	_ =	swait.ge [sflag:s16], $0x1518  }
0x101: {  	[sflag:s16] =	ssyncset.done $0x0  }
0x102: {  	[sflag:s16] =	ssyncadd.s32 $0xFFFFEAE8  }
0x103: {  	_ =	swait.ge [sflag:s16], $0x1518  }
0x104: {  	[sflag:s16] =	ssyncset.done $0x0  }
0x105: {  	[sflag:s16] =	ssyncadd.s32 $0xFFFFEAE8  }
0x106: {  	_ =	swait.ge [sflag:s16], $0x1518  }
0x107: {  	[sflag:s16] =	ssyncset.done $0x0  }
0x108: {  	[sflag:s16] =	ssyncadd.s32 $0xFFFFEAE8  }
0x109: {  	_ =	swait.ge [sflag:s16], $0x1518  }
0x10a: {  	[sflag:s16] =	ssyncset.done $0x0  }
0x10b: {  	[sflag:s16] =	ssyncadd.s32 $0xFFFFEAE8  }
0x10c: {  	_ =	swait.ge [sflag:s16], $0x1518  }
0x10d: {  	[sflag:s16] =	ssyncset.done $0x0  }
0x10e: {  	[sflag:s16] =	ssyncadd.s32 $0xFFFFEAE8  }
0x10f: {  	_ =	swait.ge [sflag:s16], $0x1518  }
0x110: {  	[sflag:s16] =	ssyncset.done $0x0  }
0x111: {  	[sflag:s16] =	ssyncadd.s32 $0xFFFFEAE8  }
0x112: {  	[bflag:$0x0] =	sbarrier.arrive $0xFFFF  }
0x113: {  	_ =	strace $0x90000048  }
0x114: {  	_ =	strace $0x80000049  }
0x115: {  	_ =	swait.ge [sflag:s17], $0x500  }
0x116: {  	[sflag:s17] =	ssyncset.done $0x0  }
0x117: {  	[sflag:s17] =	ssyncadd.s32 $0xFFFFFB00  }
0x118: {  	_ =	swait.ge [sflag:s17], $0x500  }
.Ltmp3:
0x119: {  	[sflag:s17] =	ssyncset.done $0x0;
	(pc) =	sbr.rel @p0 .LBB2_5-.Ltmp3, $4  }
0x11a: {  	[sflag:s17] =	ssyncadd.s32 $0xFFFFFB00  }
0x11b: {  	_ =	swait.ge [sflag:s17], $0x500  }
0x11c: {  	[sflag:s17] =	ssyncset.done $0x0  }
0x11d: {  	[sflag:s17] =	ssyncadd.s32 $0xFFFFFB00  }
0x11e: {  	_ =	swait.ge [sflag:s17], $0x500  }
0x11f: {  	[sflag:s17] =	ssyncset.done $0x0  }
0x120: {  	[sflag:s17] =	ssyncadd.s32 $0xFFFFFB00  }
0x121: {  	s2 =	rddreg [dreg:$0x4]  }
0x122: {  	[spmem:s2] =	stream.indirect.scatter.add.f32 [tilespmem:s19], [sflag:$0x1], $0x1, s7, s18, $0x2000b8;
	[tilespmem:$0x12470] =	vst v63  }
0x123: {  	s3 =	rddreg [dreg:$0x5]  }
0x124: {  	[spmem:s3] =	stream.indirect.scatter.add.f32 [tilespmem:s0], [sflag:$0x1], $0x1, s7, s18, $0x2000b8;
	[tilespmem:$0x12470] =	vst v63  }
0x125: {  	s5 =	rddreg [dreg:$0x6]  }
0x126: {  	[spmem:s5] =	stream.indirect.scatter.add.f32 [tilespmem:s11], [sflag:$0x1], $0x1, s7, s18, $0x2000b8;
	[tilespmem:$0x12470] =	vst v63  }
0x127: {  	s10 =	simm.s32 $0x2300;
	s9 =	rddreg [dreg:$0x19]  }
0x128: {  	[tilespmem:s10], [sflag:$0x2] =	stream.linear.gather [hbm4b:s9+s7], $0x500, $0x200038;
	[tilespmem:$0x12470] =	vst v63  }
0x129: {  	s31 =	simm.s32 $0x2800;
	s4 =	rddreg [dreg:$0x1a]  }
0x12a: {  	[tilespmem:s31], [sflag:$0x2] =	stream.linear.gather [hbm4b:s4+s7], $0x500, $0x200038;
	[tilespmem:$0x12470] =	vst v63  }
0x12b: {  	s9 =	rddreg [dreg:$0x1b];
	s4 =	simm.s32 $0x2D00  }
0x12c: {  	[tilespmem:s4], [sflag:$0x2] =	stream.linear.gather [hbm4b:s9+s7], $0x500, $0x200038;
	[tilespmem:$0x12470] =	vst v63  }
0x12d: {  	s9 =	rddreg [dreg:$0x10]  }
0x12e: {  	[tilespmem:s18], [sflag:$0x2] =	stream.linear.gather [hbm4b:s9+s7], $0x500, $0x200038;
	[tilespmem:$0x12470] =	vst v63  }
0x12f: {  	_ =	swait.ge [sflag:s16], $0x500  }
0x130: {  	[sflag:s16] =	ssyncset.done $0x0  }
0x131: {  	[sflag:s16] =	ssyncadd.s32 $0xFFFFFB00  }
0x132: {  	_ =	swait.ge [sflag:s16], $0x500  }
0x133: {  	[sflag:s16] =	ssyncset.done $0x0  }
0x134: {  	[sflag:s16] =	ssyncadd.s32 $0xFFFFFB00  }
0x135: {  	_ =	swait.ge [sflag:s16], $0x500  }
0x136: {  	[sflag:s16] =	ssyncset.done $0x0  }
0x137: {  	[sflag:s16] =	ssyncadd.s32 $0xFFFFFB00  }
0x138: {  	_ =	swait.ge [sflag:s16], $0x500  }
0x139: {  	[sflag:s16] =	ssyncset.done $0x0  }
0x13a: {  	[sflag:s16] =	ssyncadd.s32 $0xFFFFFB00  }
0x13b: {  	_ =	swait.ge [sflag:s17], $0x500  }
0x13c: {  	[sflag:s17] =	ssyncset.done $0x0  }
0x13d: {  	[sflag:s17] =	ssyncadd.s32 $0xFFFFFB00  }
0x13e: {  	_ =	swait.ge [sflag:s17], $0x500  }
0x13f: {  	[sflag:s17] =	ssyncset.done $0x0  }
0x140: {  	[sflag:s17] =	ssyncadd.s32 $0xFFFFFB00  }
0x141: {  	_ =	swait.ge [sflag:s17], $0x500  }
0x142: {  	[sflag:s17] =	ssyncset.done $0x0  }
0x143: {  	[sflag:s17] =	ssyncadd.s32 $0xFFFFFB00  }
0x144: {  	[spmem:s2] =	stream.indirect.scatter.add.f32 [tilespmem:s10], [sflag:$0x1], $0x1, s18, s18, $0x2000b8;
	[tilespmem:$0x12470] =	vst v63  }
0x145: {  	_ = 	snop  }
0x146: {  	[spmem:s3] =	stream.indirect.scatter.add.f32 [tilespmem:s31], [sflag:$0x1], $0x1, s18, s18, $0x2000b8;
	[tilespmem:$0x12470] =	vst v63  }
0x147: {  	_ = 	snop  }
0x148: {  	[spmem:s5] =	stream.indirect.scatter.add.f32 [tilespmem:s4], [sflag:$0x1], $0x1, s18, s18, $0x2000b8;
	[tilespmem:$0x12470] =	vst v63  }
0x149: {  	s9 =	rddreg [dreg:$0x1e]  }
0x14a: {  	[tilespmem:s19], [sflag:$0x2] =	stream.linear.gather [hbm4b:s9+s7], $0x500, $0x200038;
	[tilespmem:$0x12470] =	vst v63  }
0x14b: {  	s9 =	rddreg [dreg:$0x1f]  }
0x14c: {  	[tilespmem:s0], [sflag:$0x2] =	stream.linear.gather [hbm4b:s9+s7], $0x500, $0x200038;
	[tilespmem:$0x12470] =	vst v63  }
0x14d: {  	s9 =	sld [smem:$0x7EB];
	_ =	sdelay $0x2  }
0x14e: {  	[tilespmem:s11], [sflag:$0x2] =	stream.linear.gather [hbm4b:s9+s7], $0x500, $0x200038;
	[tilespmem:$0x12470] =	vst v63  }
0x14f: {  	s9 =	rddreg [dreg:$0x11]  }
0x150: {  	[tilespmem:s7], [sflag:$0x2] =	stream.linear.gather [hbm4b:s9+s7], $0x500, $0x200038;
	[tilespmem:$0x12470] =	vst v63  }
0x151: {  	_ =	swait.ge [sflag:s16], $0x500  }
0x152: {  	[sflag:s16] =	ssyncset.done $0x0  }
0x153: {  	[sflag:s16] =	ssyncadd.s32 $0xFFFFFB00  }
0x154: {  	_ =	swait.ge [sflag:s16], $0x500  }
0x155: {  	[sflag:s16] =	ssyncset.done $0x0  }
0x156: {  	[sflag:s16] =	ssyncadd.s32 $0xFFFFFB00  }
0x157: {  	_ =	swait.ge [sflag:s16], $0x500  }
0x158: {  	[sflag:s16] =	ssyncset.done $0x0  }
0x159: {  	[sflag:s16] =	ssyncadd.s32 $0xFFFFFB00  }
0x15a: {  	_ =	swait.ge [sflag:s16], $0x500  }
0x15b: {  	[sflag:s16] =	ssyncset.done $0x0  }
0x15c: {  	[sflag:s16] =	ssyncadd.s32 $0xFFFFFB00  }
0x15d: {  	_ =	swait.ge [sflag:s17], $0x500  }
0x15e: {  	[sflag:s17] =	ssyncset.done $0x0  }
0x15f: {  	[sflag:s17] =	ssyncadd.s32 $0xFFFFFB00  }
0x160: {  	_ =	swait.ge [sflag:s17], $0x500  }
0x161: {  	[sflag:s17] =	ssyncset.done $0x0  }
0x162: {  	[sflag:s17] =	ssyncadd.s32 $0xFFFFFB00  }
0x163: {  	_ =	swait.ge [sflag:s17], $0x500  }
0x164: {  	[sflag:s17] =	ssyncset.done $0x0  }
0x165: {  	[sflag:s17] =	ssyncadd.s32 $0xFFFFFB00  }
0x166: {  	[spmem:s2] =	stream.indirect.scatter.add.f32 [tilespmem:s19], [sflag:$0x1], $0x1, s7, s18, $0x2000b8;
	[tilespmem:$0x12470] =	vst v63  }
0x167: {  	_ = 	snop  }
0x168: {  	[spmem:s3] =	stream.indirect.scatter.add.f32 [tilespmem:s0], [sflag:$0x1], $0x1, s7, s18, $0x2000b8;
	[tilespmem:$0x12470] =	vst v63  }
0x169: {  	s9 =	sld [smem:$0x7EE]  }
0x16a: {  	[spmem:s5] =	stream.indirect.scatter.add.f32 [tilespmem:s11], [sflag:$0x1], $0x1, s7, s18, $0x2000b8;
	[tilespmem:$0x12470] =	vst v63  }
0x16b: {  	_ = 	snop  }
0x16c: {  	[tilespmem:s10], [sflag:$0x2] =	stream.linear.gather [hbm4b:s9+s7], $0x500, $0x200038;
	[tilespmem:$0x12470] =	vst v63  }
0x16d: {  	s9 =	sld [smem:$0x7EF];
	_ =	sdelay $0x2  }
0x16e: {  	[tilespmem:s31], [sflag:$0x2] =	stream.linear.gather [hbm4b:s9+s7], $0x500, $0x200038;
	[tilespmem:$0x12470] =	vst v63  }
0x16f: {  	s9 =	sld [smem:$0x7F0];
	_ =	sdelay $0x2  }
0x170: {  	[tilespmem:s4], [sflag:$0x2] =	stream.linear.gather [hbm4b:s9+s7], $0x500, $0x200038;
	[tilespmem:$0x12470] =	vst v63  }
0x171: {  	s9 =	rddreg [dreg:$0x12]  }
0x172: {  	[tilespmem:s18], [sflag:$0x2] =	stream.linear.gather [hbm4b:s9+s7], $0x500, $0x200038;
	[tilespmem:$0x12470] =	vst v63  }
0x173: {  	_ =	swait.ge [sflag:s16], $0x500  }
0x174: {  	[sflag:s16] =	ssyncset.done $0x0  }
0x175: {  	[sflag:s16] =	ssyncadd.s32 $0xFFFFFB00  }
0x176: {  	_ =	swait.ge [sflag:s16], $0x500  }
0x177: {  	[sflag:s16] =	ssyncset.done $0x0  }
0x178: {  	[sflag:s16] =	ssyncadd.s32 $0xFFFFFB00  }
0x179: {  	_ =	swait.ge [sflag:s16], $0x500  }
0x17a: {  	[sflag:s16] =	ssyncset.done $0x0  }
0x17b: {  	[sflag:s16] =	ssyncadd.s32 $0xFFFFFB00  }
0x17c: {  	_ =	swait.ge [sflag:s16], $0x500  }
0x17d: {  	[sflag:s16] =	ssyncset.done $0x0  }
0x17e: {  	[sflag:s16] =	ssyncadd.s32 $0xFFFFFB00  }
0x17f: {  	_ =	swait.ge [sflag:s17], $0x500  }
0x180: {  	[sflag:s17] =	ssyncset.done $0x0  }
0x181: {  	[sflag:s17] =	ssyncadd.s32 $0xFFFFFB00  }
0x182: {  	_ =	swait.ge [sflag:s17], $0x500  }
0x183: {  	[sflag:s17] =	ssyncset.done $0x0  }
0x184: {  	[sflag:s17] =	ssyncadd.s32 $0xFFFFFB00  }
0x185: {  	_ =	swait.ge [sflag:s17], $0x500  }
0x186: {  	[sflag:s17] =	ssyncset.done $0x0  }
0x187: {  	[sflag:s17] =	ssyncadd.s32 $0xFFFFFB00  }
0x188: {  	[spmem:s2] =	stream.indirect.scatter.add.f32 [tilespmem:s10], [sflag:$0x1], $0x1, s18, s18, $0x2000b8;
	[tilespmem:$0x12470] =	vst v63  }
0x189: {  	_ = 	snop  }
0x18a: {  	[spmem:s3] =	stream.indirect.scatter.add.f32 [tilespmem:s31], [sflag:$0x1], $0x1, s18, s18, $0x2000b8;
	[tilespmem:$0x12470] =	vst v63  }
0x18b: {  	s31 =	sld [smem:$0x7F2]  }
0x18c: {  	[spmem:s5] =	stream.indirect.scatter.add.f32 [tilespmem:s4], [sflag:$0x1], $0x1, s18, s18, $0x2000b8;
	[tilespmem:$0x12470] =	vst v63  }
0x18d: {  	s4 =	sld [smem:$0x7F5]  }
0x18e: {  	[tilespmem:s19], [sflag:$0x2] =	stream.linear.gather [hbm4b:s31+s7], $0x500, $0x200038;
	[tilespmem:$0x12470] =	vst v63  }
0x18f: {  	s10 =	sld [smem:$0x7F6]  }
0x190: {  	[tilespmem:s0], [sflag:$0x2] =	stream.linear.gather [hbm4b:s4+s7], $0x500, $0x200038;
	[tilespmem:$0x12470] =	vst v63  }
0x191: {  	_ = 	snop  }
0x192: {  	[tilespmem:s11], [sflag:$0x2] =	stream.linear.gather [hbm4b:s10+s7], $0x500, $0x200038;
	[tilespmem:$0x12470] =	vst v63  }
0x193: {  	s31 =	rddreg [dreg:$0x13]  }
0x194: {  	[tilespmem:s7], [sflag:$0x2] =	stream.linear.gather [hbm4b:s31+s7], $0x500, $0x200038;
	[tilespmem:$0x12470] =	vst v63  }
0x195: {  	_ =	swait.ge [sflag:s16], $0x500  }
0x196: {  	[sflag:s16] =	ssyncset.done $0x0  }
0x197: {  	[sflag:s16] =	ssyncadd.s32 $0xFFFFFB00  }
0x198: {  	_ =	swait.ge [sflag:s16], $0x500  }
0x199: {  	[sflag:s16] =	ssyncset.done $0x0  }
0x19a: {  	[sflag:s16] =	ssyncadd.s32 $0xFFFFFB00  }
0x19b: {  	_ =	swait.ge [sflag:s16], $0x500  }
0x19c: {  	[sflag:s16] =	ssyncset.done $0x0  }
0x19d: {  	[sflag:s16] =	ssyncadd.s32 $0xFFFFFB00  }
0x19e: {  	_ =	swait.ge [sflag:s16], $0x500  }
0x19f: {  	[sflag:s16] =	ssyncset.done $0x0  }
0x1a0: {  	[sflag:s16] =	ssyncadd.s32 $0xFFFFFB00  }
0x1a1: {  	_ =	swait.ge [sflag:s17], $0x500  }
0x1a2: {  	[sflag:s17] =	ssyncset.done $0x0  }
0x1a3: {  	[sflag:s17] =	ssyncadd.s32 $0xFFFFFB00  }
0x1a4: {  	_ =	swait.ge [sflag:s17], $0x500  }
0x1a5: {  	[sflag:s17] =	ssyncset.done $0x0  }
0x1a6: {  	[sflag:s17] =	ssyncadd.s32 $0xFFFFFB00  }
0x1a7: {  	_ =	swait.ge [sflag:s17], $0x500  }
0x1a8: {  	[sflag:s17] =	ssyncset.done $0x0  }
0x1a9: {  	[sflag:s17] =	ssyncadd.s32 $0xFFFFFB00  }
0x1aa: {  	[spmem:s2] =	stream.indirect.scatter.add.f32 [tilespmem:s19], [sflag:$0x1], $0x1, s7, s18, $0x2000b8;
	[tilespmem:$0x12470] =	vst v63  }
0x1ab: {  	_ = 	snop  }
0x1ac: {  	[spmem:s3] =	stream.indirect.scatter.add.f32 [tilespmem:s0], [sflag:$0x1], $0x1, s7, s18, $0x2000b8;
	[tilespmem:$0x12470] =	vst v63  }
0x1ad: {  	_ = 	snop  }
0x1ae: {  	[spmem:s5] =	stream.indirect.scatter.add.f32 [tilespmem:s11], [sflag:$0x1], $0x1, s7, s18, $0x2000b8;
	[tilespmem:$0x12470] =	vst v63  }
0x1af: {  	_ =	swait.ge [sflag:s17], $0x500  }
0x1b0: {  	[sflag:s17] =	ssyncset.done $0x0  }
0x1b1: {  	[sflag:s17] =	ssyncadd.s32 $0xFFFFFB00  }
0x1b2: {  	_ =	swait.ge [sflag:s17], $0x500  }
0x1b3: {  	[sflag:s17] =	ssyncset.done $0x0  }
0x1b4: {  	[sflag:s17] =	ssyncadd.s32 $0xFFFFFB00  }
0x1b5: {  	_ =	swait.ge [sflag:s17], $0x500  }
0x1b6: {  	[sflag:s17] =	ssyncset.done $0x0  }
0x1b7: {  	[sflag:s17] =	ssyncadd.s32 $0xFFFFFB00  }
0x1b8: {  	[bflag:$0x0] =	sbarrier.arrive $0xFFFF  }
0x1b9: {  	_ =	strace $0x90000049  }
0x1ba: {  	_ =	strace $0x8000004A  }
0x1bb: {  	[tilespmem:s15], [sflag:$0x3] =	stream.linear.gather [spmem:s20], $0x1518, $0x200038;
	[tilespmem:$0x12470] =	vst v63  }
0x1bc: {  	_ =	swait.ge [sflag:s1], $0x1518  }
0x1bd: {  	s4 =	sld [smem:$0x7F7]  }
0x1be: {  	[sflag:s1] =	ssyncset.done $0x0  }
0x1bf: {  	[sflag:s1] =	ssyncadd.s32 $0xFFFFEAE8  }
0x1c0: {  	[hbm4b:s4+s7] =	stream.linear.scatter [tilespmem:s15], [sflag:$0x3], $0x1518, $0x200038;
	[tilespmem:$0x12470] =	vst v63  }
0x1c1: {  	_ =	swait.ge [sflag:s1], $0x1518  }
0x1c2: {  	[sflag:s1] =	ssyncset.done $0x0  }
0x1c3: {  	[sflag:s1] =	ssyncadd.s32 $0xFFFFEAE8  }
0x1c4: {  	[tilespmem:s15], [sflag:$0x3] =	stream.linear.gather [spmem:s25], $0x1518, $0x200038;
	[tilespmem:$0x12470] =	vst v63  }
0x1c5: {  	_ =	swait.ge [sflag:s1], $0x1518  }
0x1c6: {  	s5 =	sld [smem:$0x7F8]  }
0x1c7: {  	[sflag:s1] =	ssyncset.done $0x0  }
0x1c8: {  	[sflag:s1] =	ssyncadd.s32 $0xFFFFEAE8  }
0x1c9: {  	[hbm4b:s5+s7] =	stream.linear.scatter [tilespmem:s15], [sflag:$0x3], $0x1518, $0x200038;
	[tilespmem:$0x12470] =	vst v63  }
0x1ca: {  	_ =	swait.ge [sflag:s1], $0x1518  }
0x1cb: {  	[sflag:s1] =	ssyncset.done $0x0  }
0x1cc: {  	[sflag:s1] =	ssyncadd.s32 $0xFFFFEAE8  }
0x1cd: {  	[tilespmem:s15], [sflag:$0x3] =	stream.linear.gather [spmem:s21], $0x1518, $0x200038;
	[tilespmem:$0x12470] =	vst v63  }
0x1ce: {  	_ =	swait.ge [sflag:s1], $0x1518  }
0x1cf: {  	s9 =	sld [smem:$0x7F9]  }
0x1d0: {  	[sflag:s1] =	ssyncset.done $0x0  }
0x1d1: {  	[sflag:s1] =	ssyncadd.s32 $0xFFFFEAE8  }
0x1d2: {  	[hbm4b:s9+s7] =	stream.linear.scatter [tilespmem:s15], [sflag:$0x3], $0x1518, $0x200038;
	[tilespmem:$0x12470] =	vst v63  }
0x1d3: {  	_ =	swait.ge [sflag:s1], $0x1518  }
0x1d4: {  	[sflag:s1] =	ssyncset.done $0x0  }
0x1d5: {  	[sflag:s1] =	ssyncadd.s32 $0xFFFFEAE8  }
0x1d6: {  	[tilespmem:s15], [sflag:$0x3] =	stream.linear.gather [spmem:s26], $0x1518, $0x200038;
	[tilespmem:$0x12470] =	vst v63  }
0x1d7: {  	_ =	swait.ge [sflag:s1], $0x1518  }
0x1d8: {  	s10 =	sld [smem:$0x7FA]  }
0x1d9: {  	[sflag:s1] =	ssyncset.done $0x0  }
0x1da: {  	[sflag:s1] =	ssyncadd.s32 $0xFFFFEAE8  }
0x1db: {  	[hbm4b:s10+s7] =	stream.linear.scatter [tilespmem:s15], [sflag:$0x3], $0x1518, $0x200038;
	[tilespmem:$0x12470] =	vst v63  }
0x1dc: {  	_ =	swait.ge [sflag:s1], $0x1518  }
0x1dd: {  	[sflag:s1] =	ssyncset.done $0x0  }
0x1de: {  	[sflag:s1] =	ssyncadd.s32 $0xFFFFEAE8  }
0x1df: {  	[tilespmem:s15], [sflag:$0x3] =	stream.linear.gather [spmem:s22], $0x1518, $0x200038;
	[tilespmem:$0x12470] =	vst v63  }
0x1e0: {  	_ =	swait.ge [sflag:s1], $0x1518  }
0x1e1: {  	s31 =	sld [smem:$0x7FC]  }
0x1e2: {  	[sflag:s1] =	ssyncset.done $0x0  }
0x1e3: {  	[sflag:s1] =	ssyncadd.s32 $0xFFFFEAE8  }
0x1e4: {  	[hbm4b:s31+s7] =	stream.linear.scatter [tilespmem:s15], [sflag:$0x3], $0x1518, $0x200038;
	[tilespmem:$0x12470] =	vst v63  }
.Ltmp4:
0x1e5: {  	_ =	swait.ge [sflag:s1], $0x1518;
	(pc) =	sbr.rel .LBB2_6-.Ltmp4, $4  }
0x1e6: {  	[sflag:s1] =	ssyncset.done $0x0  }
0x1e7: {  	[sflag:s1] =	ssyncadd.s32 $0xFFFFEAE8  }
0x1e8: {  	[tilespmem:s15], [sflag:$0x3] =	stream.linear.gather [spmem:s28], $0x1518, $0x200038;
	[tilespmem:$0x12470] =	vst v63  }
0x1e9: {  	s9 =	rddreg [dreg:$0x3]  }
.LBB2_7:
0x1ea: {  	_ =	sfence.sel $0x180000  }
0x1eb: {  	[bflag:$0x0] =	sbarrier.arrive $0xFFFF  }
0x1ec: {  	_ =	strace $0x90000047  }
0x1ed: {  	s0 =	stileid.u32;
	[bflag:$0x2] =	sbarrier.arrive $0xFFFF  }
0x1ee: {  	p0 =	sne.s32 s0, $0x0;
	s0 =	rddreg [dreg:$0x9]  }
0x1ef: {  	s0 =	sadd.s32 @!p0 $0x100000, s0  }
0x1f0: {  	[sflag:s0] =	ssyncadd.tile.s32 @!p0 $0x1;
	_ =	shalt  }
.Lfunc_end2:
_tile_overlayer_lowered:
.L_overlay_start_2:
0x1f1: {  	(tag) =	ssettag $0x2  }
0x1f2: {  	s0 =	rddreg [dreg:$0x0];
	s2 =	stileid.u32  }
0x1f3: {  	s1 =	rddreg [dreg:$0x1];
	p0 =	sne.s32 s2, $0x0  }
0x1f4: {  	s3 =	rddreg [dreg:$0x2];
	[bflag:$0x3] =	sbarrier.arrive $0xFFFF;
	s2 =	simm.s32 @!p0 $0x1C03  }
0x1f5: {  	[timem:s3], [sflag:s2] =	dma.local @!p0 [hbm:s0], s1  }
0x1f6: {  	s0 =	simm.s32 @!p0 $0x3  }
0x1f7: {  	_ =	swait.ge @!p0 [sflag:s0], s1  }
0x1f8: {  	s1 =	ssub.s32 @!p0 $0x0, s1;
	[sflag:s0] =	ssyncset.done @!p0 $0x0  }
0x1f9: {  	[sflag:s0] =	ssyncadd.s32 @!p0 s1  }
0x1fa: {  	[bflag:$0x3] =	sbarrier.arrive $0xFFFF  }
0x1fb: {  	_ =	shalt  }

</sc_bundles>
